<compile_context>
chip_gen: v7x
topology: tpu7x:2x2x1
jax: 0.10.2.dev20260603
libtpu: 0.0.44.dev20260713+nightly
codegen_flags: <defaults>
</compile_context>

<pallas_src>
import functools

import jax
import jax.numpy as jnp
from jax import lax
from jax.experimental import pallas as pl
from jax.experimental.pallas import tpu as pltpu
from jax.experimental.pallas import tpu_sc as plsc

_N = 10000
_D = 128
_NC = 2
_NS = 16
_NW = _NC * _NS
_B = 128
_NPAD = 10240
_ZR = _NPAD // _NS



def _deg_body(dst_hbm, zeros_hbm, ones_hbm, degp_hbm, dst_v, ones_v, acc):
    c = lax.axis_index("c")
    s = lax.axis_index("s")
    w = c * _NS + s
    ch = dst_v.shape[0]
    pltpu.sync_copy(dst_hbm.at[w], dst_v)
    pltpu.sync_copy(ones_hbm, ones_v)
    pltpu.sync_copy(zeros_hbm, acc.at[pl.ds(s * _ZR, _ZR)])
    plsc.subcore_barrier()

    def step(j, carry):
        pltpu.sync_copy(ones_v, acc.at[dst_v.at[j]], add=True)
        return carry

    lax.fori_loop(0, ch, step, 0)
    plsc.subcore_barrier()
    pltpu.sync_copy(acc.at[pl.ds(s * _ZR, _ZR)],
                    degp_hbm.at[c, pl.ds(s * _ZR, _ZR)])


def _seg_body(hs_hbm, src_hbm, dst_hbm, zeros_hbm, segp_hbm,
              src_v, dst_v, rows_v, acc, sem):
    c = lax.axis_index("c")
    s = lax.axis_index("s")
    w = c * _NS + s
    pltpu.sync_copy(zeros_hbm, acc.at[pl.ds(s * _ZR, _ZR)])
    plsc.subcore_barrier()

    pltpu.sync_copy(src_hbm.at[w], src_v)
    pltpu.sync_copy(dst_hbm.at[w], dst_v)

    def step(j, carry):
        pltpu.async_copy(hs_hbm.at[src_v.at[j]], rows_v, sem).wait()
        pltpu.sync_copy(rows_v, acc.at[dst_v.at[j]], add=True)
        return carry

    lax.fori_loop(0, src_v.shape[0], step, 0)
    plsc.subcore_barrier()
    pltpu.sync_copy(acc.at[pl.ds(s * _ZR, _ZR)],
                    segp_hbm.at[c, pl.ds(s * _ZR, _ZR)])


_DW = 128


def _deg_call(dst3, ch):
    mesh = plsc.VectorSubcoreMesh(core_axis_name="c", subcore_axis_name="s")
    zeros = jnp.zeros((_ZR, _DW), jnp.float32)
    ones = jnp.ones((_B, _DW), jnp.float32)
    return pl.kernel(
        _deg_body,
        out_type=jax.ShapeDtypeStruct((_NC, _NPAD, _DW), jnp.float32),
        mesh=mesh,
        scratch_types=[
            pltpu.VMEM((ch, _B), jnp.int32),
            pltpu.VMEM((_B, _DW), jnp.float32),
            pltpu.VMEM_SHARED((_NPAD, _DW), jnp.float32),
        ],
    )(dst3, zeros, ones)


def _seg_call(hs, src3, dst3, ch):
    mesh = plsc.VectorSubcoreMesh(core_axis_name="c", subcore_axis_name="s")
    zeros = jnp.zeros((_ZR, _D), jnp.float32)
    return pl.kernel(
        _seg_body,
        out_type=jax.ShapeDtypeStruct((_NC, _NPAD, _D), jnp.float32),
        mesh=mesh,
        scratch_types=[
            pltpu.VMEM((ch, _B), jnp.int32),
            pltpu.VMEM((ch, _B), jnp.int32),
            pltpu.VMEM((_B, _D), jnp.float32),
            pltpu.VMEM_SHARED((_NPAD, _D), jnp.float32),
            pltpu.SemaphoreType.DMA,
        ],
    )(hs, src3, dst3, zeros)



_RB = 1000


def _dinv_of(d0, d1):
    cnt = d0[:, 0:1] + d1[:, 0:1] + 1.0
    return lax.rsqrt(cnt)


def _tc1_body(x_ref, w_ref, d0_ref, d1_ref, hs_ref):
    h = jnp.dot(x_ref[...], w_ref[...], preferred_element_type=jnp.float32)
    hs_ref[...] = h * _dinv_of(d0_ref[...], d1_ref[...])


def _ln_relu(agg, g, b):
    mu = jnp.mean(agg, axis=1, keepdims=True)
    var = jnp.mean(jnp.square(agg - mu), axis=1, keepdims=True)
    y = (agg - mu) * lax.rsqrt(var + 1e-5) * g + b
    return jnp.maximum(y, 0.0)


def _tc2_body(s0_ref, s1_ref, hs_ref, d0_ref, d1_ref, b1_ref, g1_ref,
              bt1_ref, w2_ref, out_ref):
    dinv = _dinv_of(d0_ref[...], d1_ref[...])
    agg = (s0_ref[...] + s1_ref[...] + hs_ref[...]) * dinv + b1_ref[...]
    y = _ln_relu(agg, g1_ref[...], bt1_ref[...])
    h2 = jnp.dot(y, w2_ref[...], preferred_element_type=jnp.float32)
    out_ref[...] = h2 * dinv


def _tc3_body(s0_ref, s1_ref, hs_ref, d0_ref, d1_ref, b2_ref, g2_ref,
              bt2_ref, x_ref, out_ref):
    dinv = _dinv_of(d0_ref[...], d1_ref[...])
    agg = (s0_ref[...] + s1_ref[...] + hs_ref[...]) * dinv + b2_ref[...]
    y = _ln_relu(agg, g2_ref[...], bt2_ref[...])
    out_ref[...] = y + x_ref[...]


def _row_spec(width=_D):
    return pl.BlockSpec((_RB, width), lambda i: (i, 0))


def _full_spec(shape):
    return pl.BlockSpec(shape, lambda i: tuple(0 for _ in shape))


def _tc1(x, w1, d0, d1):
    return pl.pallas_call(
        _tc1_body,
        grid=(_N // _RB,),
        in_specs=[_row_spec(), _full_spec((_D, _D)), _row_spec(_DW),
                  _row_spec(_DW)],
        out_specs=_row_spec(),
        out_shape=jax.ShapeDtypeStruct((_N, _D), jnp.float32),
    )(x, w1, d0, d1)


def _tc2(s0, s1, hs, d0, d1, b1, g1, bt1, w2):
    return pl.pallas_call(
        _tc2_body,
        grid=(_N // _RB,),
        in_specs=[_row_spec(), _row_spec(), _row_spec(), _row_spec(_DW),
                  _row_spec(_DW), _full_spec((1, _D)), _full_spec((1, _D)),
                  _full_spec((1, _D)), _full_spec((_D, _D))],
        out_specs=_row_spec(),
        out_shape=jax.ShapeDtypeStruct((_N, _D), jnp.float32),
    )(s0, s1, hs, d0, d1, b1, g1, bt1, w2)


def _tc3(s0, s1, hs, d0, d1, b2, g2, bt2, x):
    return pl.pallas_call(
        _tc3_body,
        grid=(_N // _RB,),
        in_specs=[_row_spec(), _row_spec(), _row_spec(), _row_spec(_DW),
                  _row_spec(_DW), _full_spec((1, _D)), _full_spec((1, _D)),
                  _full_spec((1, _D)), _row_spec()],
        out_specs=_row_spec(),
        out_shape=jax.ShapeDtypeStruct((_N, _D), jnp.float32),
    )(s0, s1, hs, d0, d1, b2, g2, bt2, x)



def kernel(x, edge_index, W1, b1, ln1_g, ln1_b, W2, b2, ln2_g, ln2_b):
    e = edge_index.shape[1]
    src = edge_index[0].astype(jnp.int32)
    dst = edge_index[1].astype(jnp.int32)

    ch = -(-e // (_NW * _B))
    epad = _NW * ch * _B
    pad = epad - e
    src3 = jnp.concatenate(
        [src, jnp.zeros((pad,), jnp.int32)]).reshape(_NW, ch, _B)
    dst3 = jnp.concatenate(
        [dst, jnp.full((pad,), _N, jnp.int32)]).reshape(_NW, ch, _B)

    degp = _deg_call(dst3, ch)
    d0, d1 = degp[0], degp[1]

    b1r = b1.reshape(1, _D)
    b2r = b2.reshape(1, _D)
    g1r = ln1_g.reshape(1, _D)
    bt1r = ln1_b.reshape(1, _D)
    g2r = ln2_g.reshape(1, _D)
    bt2r = ln2_b.reshape(1, _D)

    hs1 = _tc1(x, W1, d0, d1)
    segp1 = _seg_call(hs1, src3, dst3, ch)
    hs2 = _tc2(segp1[0], segp1[1], hs1, d0, d1, b1r, g1r, bt1r, W2)
    segp2 = _seg_call(hs2, src3, dst3, ch)
    out = _tc3(segp2[0], segp2[1], hs2, d0, d1, b2r, g2r, bt2r, x)
    return out

# --- scband reference (transcript-rebuilt; emitter-appended) ---
"""Pipeline reference for scband-residual-block-30614526886066 (READ-ONLY COPY).

The authoritative reference and input builder live on the scoring server;
editing this copy changes nothing except your own understanding.
"""

import jax, jax.numpy as jnp
import numpy as np

N = 10000
E = 320000
D = 128

def setup_inputs(seed: int = 0) -> dict:
    key = jax.random.key(seed)
    ks = jax.random.split(key, 8)
    x = jax.random.normal(ks[0], (N, D), dtype=jnp.float32)
    edge_index = jax.random.randint(ks[1], (2, E), 0, N, dtype=jnp.int64)
    s = 1.0 / np.sqrt(D)
    W1 = jax.random.uniform(ks[2], (D, D), dtype=jnp.float32, minval=-s, maxval=s)
    b1 = jnp.zeros((D,), dtype=jnp.float32)
    W2 = jax.random.uniform(ks[3], (D, D), dtype=jnp.float32, minval=-s, maxval=s)
    b2 = jnp.zeros((D,), dtype=jnp.float32)
    ln1_g = jnp.ones((D,), dtype=jnp.float32)
    ln1_b = jnp.zeros((D,), dtype=jnp.float32)
    ln2_g = jnp.ones((D,), dtype=jnp.float32)
    ln2_b = jnp.zeros((D,), dtype=jnp.float32)
    return {"x": x, "edge_index": edge_index, "W1": W1, "b1": b1, "ln1_g": ln1_g, "ln1_b": ln1_b, "W2": W2, "b2": b2, "ln2_g": ln2_g, "ln2_b": ln2_b}

def _gcn_conv(x, edge_index, W, b):
    # PyG GCNConv: add self loops, symmetric normalization, then aggregate
    src = edge_index[0]
    dst = edge_index[1]
    loop = jnp.arange(N, dtype=edge_index.dtype)
    src = jnp.concatenate([src, loop])
    dst = jnp.concatenate([dst, loop])
    ew = jnp.ones(src.shape[0], dtype=x.dtype)
    deg = jnp.zeros((N,), dtype=x.dtype).at[dst].add(ew)
    dinv = jnp.where(deg > 0, deg ** -0.5, 0.0)
    norm = dinv[src] * dinv[dst]
    h = x @ W
    msg = h[src] * norm[:, None]
    out = jnp.zeros_like(h).at[dst].add(msg)
    return out + b

def _layer_norm(x, g, b, eps=1e-5):
    mu = jnp.mean(x, axis=-1, keepdims=True)
    var = jnp.var(x, axis=-1, keepdims=True)
    return (x - mu) / jnp.sqrt(var + eps) * g + b

def reference(x, edge_index, W1, b1, ln1_g, ln1_b, W2, b2, ln2_g, ln2_b):
    out = _gcn_conv(x, edge_index, W1, b1)
    out = _layer_norm(out, ln1_g, ln1_b)
    out = jax.nn.relu(out)
    # dropout is identity in eval mode
    out = _gcn_conv(out, edge_index, W2, b2)
    out = _layer_norm(out, ln2_g, ln2_b)
    out = jax.nn.relu(out)
    return out + x

if __name__ == "__main__":
    import jax
    _d = setup_inputs()
    print(jax.jit(kernel)(*tuple(_d.values())))

</pallas_src>

<mosaic_0001>
#map = affine_map<(d0, d1) -> (0, 0)>
#map1 = affine_map<(d0, d1) -> (0, 0, 0)>
module attributes {stable_mosaic.version = 14 : i64} {
  func.func @_seg_body(%arg0: i32, %arg1: i32, %arg2: memref<10000x128xf32, #tpu.memory_space<hbm>>, %arg3: memref<32x79x128xi32, #tpu.memory_space<hbm>>, %arg4: memref<32x79x128xi32, #tpu.memory_space<hbm>>, %arg5: memref<640x128xf32, #tpu.memory_space<hbm>>, %arg6: memref<2x10240x128xf32, #tpu.memory_space<hbm>>, %arg7: memref<79x128xi32, #tpu.memory_space<vmem>>, %arg8: memref<79x128xi32, #tpu.memory_space<vmem>>, %arg9: memref<128x128xf32, #tpu.memory_space<vmem>>, %arg10: memref<10240x128xf32, #tpu.memory_space<vmem_shared>>, %arg11: memref<!tpu.dma_semaphore, #tpu.memory_space<semaphore_mem>>) attributes {dimension_semantics = [#tpu.dimension_semantics<core_parallel>, #tpu.dimension_semantics<subcore_parallel>], iteration_bounds = array<i64: 2, 16>, scalar_prefetch = 0 : i64, scratch_operands = 5 : i64, tpu.core_type = #tpu.core_type<sc_vector_subcore>, window_params = [{transform_indices = #map}, {transform_indices = #map1}, {transform_indices = #map1}, {transform_indices = #map}, {transform_indices = #map1}]} {
    %mul3A = arith.constant 16 : i32
    %mul3A_0 = arith.muli %arg0, %mul3A : i32
    %add3A = arith.addi %mul3A_0, %arg1 : i32
    %mul3A_1 = arith.constant 640 : i32
    %mul3A_2 = arith.muli %arg1, %mul3A_1 : i32
    "tpu.region"() ({
      %run_scoped3A = tpu.sem_alloc : memref<!tpu.dma_semaphore, #tpu.memory_space<semaphore_mem>>
      %dma_start3A = arith.constant 0 : i32
      %dma_start3A_13 = tpu.memref_slice %arg10[%mul3A_2, %dma_start3A] : memref<10240x128xf32, #tpu.memory_space<vmem_shared>> -> memref<640x128xf32, #tpu.memory_space<vmem_shared>>
      tpu.enqueue_dma source(%arg5 : memref<640x128xf32, #tpu.memory_space<hbm>>) target(%dma_start3A_13 : memref<640x128xf32, #tpu.memory_space<vmem_shared>>) target_semaphore(%run_scoped3A : memref<!tpu.dma_semaphore, #tpu.memory_space<semaphore_mem>>)
      %dma_wait3A = arith.constant 0 : i32
      %dma_wait3A_14 = tpu.memref_slice %arg10[%mul3A_2, %dma_wait3A] : memref<10240x128xf32, #tpu.memory_space<vmem_shared>> -> memref<640x128xf32, #tpu.memory_space<vmem_shared>>
      tpu.wait_dma2 semaphore(%run_scoped3A : memref<!tpu.dma_semaphore, #tpu.memory_space<semaphore_mem>>) src(%arg5 : memref<640x128xf32, #tpu.memory_space<hbm>>) dst(%dma_wait3A_14 : memref<640x128xf32, #tpu.memory_space<vmem_shared>>)
      tpu.yield
    }) : () -> ()
    %barrier3A = arith.constant 0 : index
    tpu.barrier barrier_id(%barrier3A)
    "tpu.region"() ({
      %run_scoped3A = tpu.sem_alloc : memref<!tpu.dma_semaphore, #tpu.memory_space<semaphore_mem>>
      %dma_start3A = arith.constant 0 : i32
      %dma_start3A_13 = arith.constant 0 : i32
      %dma_start3A_14 = tpu.memref_slice %arg3[%add3A, %dma_start3A, %dma_start3A_13] : memref<32x79x128xi32, #tpu.memory_space<hbm>> -> memref<1x79x128xi32, #tpu.memory_space<hbm>>
      %dma_start3A_15 = tpu.memref_squeeze %dma_start3A_14 : memref<1x79x128xi32, #tpu.memory_space<hbm>> -> memref<79x128xi32, #tpu.memory_space<hbm>>
      %dma_start3A_16 = arith.constant 0 : i32
      %dma_start3A_17 = arith.constant 0 : i32
      %dma_start3A_18 = tpu.memref_slice %arg3[%add3A, %dma_start3A_16, %dma_start3A_17] : memref<32x79x128xi32, #tpu.memory_space<hbm>> -> memref<1x79x128xi32, #tpu.memory_space<hbm>>
      %dma_start3A_19 = tpu.memref_squeeze %dma_start3A_18 : memref<1x79x128xi32, #tpu.memory_space<hbm>> -> memref<79x128xi32, #tpu.memory_space<hbm>>
      tpu.enqueue_dma source(%dma_start3A_19 : memref<79x128xi32, #tpu.memory_space<hbm>>) target(%arg7 : memref<79x128xi32, #tpu.memory_space<vmem>>) target_semaphore(%run_scoped3A : memref<!tpu.dma_semaphore, #tpu.memory_space<semaphore_mem>>)
      %dma_wait3A = arith.constant 0 : i32
      %dma_wait3A_20 = arith.constant 0 : i32
      %dma_wait3A_21 = tpu.memref_slice %arg3[%add3A, %dma_wait3A, %dma_wait3A_20] : memref<32x79x128xi32, #tpu.memory_space<hbm>> -> memref<1x79x128xi32, #tpu.memory_space<hbm>>
      %dma_wait3A_22 = tpu.memref_squeeze %dma_wait3A_21 : memref<1x79x128xi32, #tpu.memory_space<hbm>> -> memref<79x128xi32, #tpu.memory_space<hbm>>
      %dma_wait3A_23 = arith.constant 0 : i32
      %dma_wait3A_24 = arith.constant 0 : i32
      %dma_wait3A_25 = tpu.memref_slice %arg3[%add3A, %dma_wait3A_23, %dma_wait3A_24] : memref<32x79x128xi32, #tpu.memory_space<hbm>> -> memref<1x79x128xi32, #tpu.memory_space<hbm>>
      %dma_wait3A_26 = tpu.memref_squeeze %dma_wait3A_25 : memref<1x79x128xi32, #tpu.memory_space<hbm>> -> memref<79x128xi32, #tpu.memory_space<hbm>>
      tpu.wait_dma2 semaphore(%run_scoped3A : memref<!tpu.dma_semaphore, #tpu.memory_space<semaphore_mem>>) src(%dma_wait3A_26 : memref<79x128xi32, #tpu.memory_space<hbm>>) dst(%arg7 : memref<79x128xi32, #tpu.memory_space<vmem>>)
      tpu.yield
    }) : () -> ()
    "tpu.region"() ({
      %run_scoped3A = tpu.sem_alloc : memref<!tpu.dma_semaphore, #tpu.memory_space<semaphore_mem>>
      %dma_start3A = arith.constant 0 : i32
      %dma_start3A_13 = arith.constant 0 : i32
      %dma_start3A_14 = tpu.memref_slice %arg4[%add3A, %dma_start3A, %dma_start3A_13] : memref<32x79x128xi32, #tpu.memory_space<hbm>> -> memref<1x79x128xi32, #tpu.memory_space<hbm>>
      %dma_start3A_15 = tpu.memref_squeeze %dma_start3A_14 : memref<1x79x128xi32, #tpu.memory_space<hbm>> -> memref<79x128xi32, #tpu.memory_space<hbm>>
      %dma_start3A_16 = arith.constant 0 : i32
      %dma_start3A_17 = arith.constant 0 : i32
      %dma_start3A_18 = tpu.memref_slice %arg4[%add3A, %dma_start3A_16, %dma_start3A_17] : memref<32x79x128xi32, #tpu.memory_space<hbm>> -> memref<1x79x128xi32, #tpu.memory_space<hbm>>
      %dma_start3A_19 = tpu.memref_squeeze %dma_start3A_18 : memref<1x79x128xi32, #tpu.memory_space<hbm>> -> memref<79x128xi32, #tpu.memory_space<hbm>>
      tpu.enqueue_dma source(%dma_start3A_19 : memref<79x128xi32, #tpu.memory_space<hbm>>) target(%arg8 : memref<79x128xi32, #tpu.memory_space<vmem>>) target_semaphore(%run_scoped3A : memref<!tpu.dma_semaphore, #tpu.memory_space<semaphore_mem>>)
      %dma_wait3A = arith.constant 0 : i32
      %dma_wait3A_20 = arith.constant 0 : i32
      %dma_wait3A_21 = tpu.memref_slice %arg4[%add3A, %dma_wait3A, %dma_wait3A_20] : memref<32x79x128xi32, #tpu.memory_space<hbm>> -> memref<1x79x128xi32, #tpu.memory_space<hbm>>
      %dma_wait3A_22 = tpu.memref_squeeze %dma_wait3A_21 : memref<1x79x128xi32, #tpu.memory_space<hbm>> -> memref<79x128xi32, #tpu.memory_space<hbm>>
      %dma_wait3A_23 = arith.constant 0 : i32
      %dma_wait3A_24 = arith.constant 0 : i32
      %dma_wait3A_25 = tpu.memref_slice %arg4[%add3A, %dma_wait3A_23, %dma_wait3A_24] : memref<32x79x128xi32, #tpu.memory_space<hbm>> -> memref<1x79x128xi32, #tpu.memory_space<hbm>>
      %dma_wait3A_26 = tpu.memref_squeeze %dma_wait3A_25 : memref<1x79x128xi32, #tpu.memory_space<hbm>> -> memref<79x128xi32, #tpu.memory_space<hbm>>
      tpu.wait_dma2 semaphore(%run_scoped3A : memref<!tpu.dma_semaphore, #tpu.memory_space<semaphore_mem>>) src(%dma_wait3A_26 : memref<79x128xi32, #tpu.memory_space<hbm>>) dst(%arg8 : memref<79x128xi32, #tpu.memory_space<vmem>>)
      tpu.yield
    }) : () -> ()
    %scan3A = arith.constant 0 : i32
    %scan3A_3 = arith.constant 0 : i32
    %scan3A_4 = arith.constant 79 : i32
    %scan3A_5 = arith.addi %scan3A_3, %scan3A_4 : i32
    %scan3A_6 = arith.constant 1 : i32
    scf.for %scan3A_13 = %scan3A_3 to %scan3A_5 step %scan3A_6  : i32 {
      %dma_start3A = arith.constant 0 : i32
      %dma_start3A_14 = tpu.memref_slice %arg7[%scan3A_13, %dma_start3A] : memref<79x128xi32, #tpu.memory_space<vmem>> -> memref<1x128xi32, #tpu.memory_space<vmem>>
      %dma_start3A_15 = tpu.memref_squeeze %dma_start3A_14 : memref<1x128xi32, #tpu.memory_space<vmem>> -> memref<128xi32, #tpu.memory_space<vmem>>
      %dma_start3A_16 = arith.constant 0 : i32
      %dma_start3A_17 = arith.constant 0 : i32
      %dma_start3A_18 = tpu.memref_slice %arg2[%dma_start3A_16, %dma_start3A_17] : memref<10000x128xf32, #tpu.memory_space<hbm>> -> memref<10000x128xf32, #tpu.memory_space<hbm>>
      tpu.enqueue_indirect_dma source(%dma_start3A_18 : memref<10000x128xf32, #tpu.memory_space<hbm>>) target(%arg9 : memref<128x128xf32, #tpu.memory_space<vmem>>) offsets(%dma_start3A_15 : memref<128xi32, #tpu.memory_space<vmem>>) semaphore(%arg11 : memref<!tpu.dma_semaphore, #tpu.memory_space<semaphore_mem>>)
      %dma_wait3A = arith.constant 0 : i32
      %dma_wait3A_19 = tpu.memref_slice %arg7[%scan3A_13, %dma_wait3A] : memref<79x128xi32, #tpu.memory_space<vmem>> -> memref<1x128xi32, #tpu.memory_space<vmem>>
      %dma_wait3A_20 = tpu.memref_squeeze %dma_wait3A_19 : memref<1x128xi32, #tpu.memory_space<vmem>> -> memref<128xi32, #tpu.memory_space<vmem>>
      %dma_wait3A_21 = arith.constant 0 : i32
      %dma_wait3A_22 = arith.constant 0 : i32
      %dma_wait3A_23 = tpu.memref_slice %arg2[%dma_wait3A_21, %dma_wait3A_22] : memref<10000x128xf32, #tpu.memory_space<hbm>> -> memref<10000x128xf32, #tpu.memory_space<hbm>>
      tpu.wait_indirect_dma semaphore(%arg11 : memref<!tpu.dma_semaphore, #tpu.memory_space<semaphore_mem>>) src(%dma_wait3A_23 : memref<10000x128xf32, #tpu.memory_space<hbm>>) dst(%arg9 : memref<128x128xf32, #tpu.memory_space<vmem>>)
      "tpu.region"() ({
        %run_scoped3A = tpu.sem_alloc : memref<!tpu.dma_semaphore, #tpu.memory_space<semaphore_mem>>
        %dma_start3A_24 = arith.constant 0 : i32
        %dma_start3A_25 = tpu.memref_slice %arg8[%scan3A_13, %dma_start3A_24] : memref<79x128xi32, #tpu.memory_space<vmem>> -> memref<1x128xi32, #tpu.memory_space<vmem>>
        %dma_start3A_26 = tpu.memref_squeeze %dma_start3A_25 : memref<1x128xi32, #tpu.memory_space<vmem>> -> memref<128xi32, #tpu.memory_space<vmem>>
        %dma_start3A_27 = arith.constant 0 : i32
        %dma_start3A_28 = arith.constant 0 : i32
        %dma_start3A_29 = tpu.memref_slice %arg10[%dma_start3A_27, %dma_start3A_28] : memref<10240x128xf32, #tpu.memory_space<vmem_shared>> -> memref<10240x128xf32, #tpu.memory_space<vmem_shared>>
        tpu.enqueue_indirect_dma source(%arg9 : memref<128x128xf32, #tpu.memory_space<vmem>>) target(%dma_start3A_29 : memref<10240x128xf32, #tpu.memory_space<vmem_shared>>) offsets(%dma_start3A_26 : memref<128xi32, #tpu.memory_space<vmem>>) semaphore(%run_scoped3A : memref<!tpu.dma_semaphore, #tpu.memory_space<semaphore_mem>>) {add = true}
        %dma_wait3A_30 = arith.constant 0 : i32
        %dma_wait3A_31 = tpu.memref_slice %arg8[%scan3A_13, %dma_wait3A_30] : memref<79x128xi32, #tpu.memory_space<vmem>> -> memref<1x128xi32, #tpu.memory_space<vmem>>
        %dma_wait3A_32 = tpu.memref_squeeze %dma_wait3A_31 : memref<1x128xi32, #tpu.memory_space<vmem>> -> memref<128xi32, #tpu.memory_space<vmem>>
        %dma_wait3A_33 = arith.constant 0 : i32
        %dma_wait3A_34 = arith.constant 0 : i32
        %dma_wait3A_35 = tpu.memref_slice %arg10[%dma_wait3A_33, %dma_wait3A_34] : memref<10240x128xf32, #tpu.memory_space<vmem_shared>> -> memref<10240x128xf32, #tpu.memory_space<vmem_shared>>
        tpu.wait_indirect_dma semaphore(%run_scoped3A : memref<!tpu.dma_semaphore, #tpu.memory_space<semaphore_mem>>) src(%arg9 : memref<128x128xf32, #tpu.memory_space<vmem>>) dst(%dma_wait3A_35 : memref<10240x128xf32, #tpu.memory_space<vmem_shared>>)
        tpu.yield
      }) : () -> ()
    }
    %scan3A_7 = arith.constant 79 : i32
    %barrier3A_8 = arith.constant 0 : index
    tpu.barrier barrier_id(%barrier3A_8)
    %mul3A_9 = arith.constant 640 : i32
    %mul3A_10 = arith.muli %arg1, %mul3A_9 : i32
    %mul3A_11 = arith.constant 640 : i32
    %mul3A_12 = arith.muli %arg1, %mul3A_11 : i32
    "tpu.region"() ({
      %run_scoped3A = tpu.sem_alloc : memref<!tpu.dma_semaphore, #tpu.memory_space<semaphore_mem>>
      %dma_start3A = arith.constant 0 : i32
      %dma_start3A_13 = tpu.memref_slice %arg6[%arg0, %mul3A_12, %dma_start3A] : memref<2x10240x128xf32, #tpu.memory_space<hbm>> -> memref<1x640x128xf32, #tpu.memory_space<hbm>>
      %dma_start3A_14 = tpu.memref_squeeze %dma_start3A_13 : memref<1x640x128xf32, #tpu.memory_space<hbm>> -> memref<640x128xf32, #tpu.memory_space<hbm>>
      %dma_start3A_15 = arith.constant 0 : i32
      %dma_start3A_16 = tpu.memref_slice %arg10[%mul3A_10, %dma_start3A_15] : memref<10240x128xf32, #tpu.memory_space<vmem_shared>> -> memref<640x128xf32, #tpu.memory_space<vmem_shared>>
      tpu.enqueue_dma source(%dma_start3A_16 : memref<640x128xf32, #tpu.memory_space<vmem_shared>>) target(%dma_start3A_14 : memref<640x128xf32, #tpu.memory_space<hbm>>) target_semaphore(%run_scoped3A : memref<!tpu.dma_semaphore, #tpu.memory_space<semaphore_mem>>)
      %dma_wait3A = arith.constant 0 : i32
      %dma_wait3A_17 = tpu.memref_slice %arg6[%arg0, %mul3A_12, %dma_wait3A] : memref<2x10240x128xf32, #tpu.memory_space<hbm>> -> memref<1x640x128xf32, #tpu.memory_space<hbm>>
      %dma_wait3A_18 = tpu.memref_squeeze %dma_wait3A_17 : memref<1x640x128xf32, #tpu.memory_space<hbm>> -> memref<640x128xf32, #tpu.memory_space<hbm>>
      %dma_wait3A_19 = arith.constant 0 : i32
      %dma_wait3A_20 = tpu.memref_slice %arg10[%mul3A_10, %dma_wait3A_19] : memref<10240x128xf32, #tpu.memory_space<vmem_shared>> -> memref<640x128xf32, #tpu.memory_space<vmem_shared>>
      tpu.wait_dma2 semaphore(%run_scoped3A : memref<!tpu.dma_semaphore, #tpu.memory_space<semaphore_mem>>) src(%dma_wait3A_20 : memref<640x128xf32, #tpu.memory_space<vmem_shared>>) dst(%dma_wait3A_18 : memref<640x128xf32, #tpu.memory_space<hbm>>)
      tpu.yield
    }) : () -> ()
    return
  }
}

#map = affine_map<(d0, d1) -> (0, 0, 0)>
#map1 = affine_map<(d0, d1) -> (0, 0)>
module attributes {stable_mosaic.version = 14 : i64} {
  func.func @_deg_body(%arg0: i32, %arg1: i32, %arg2: memref<32x79x128xi32, #tpu.memory_space<hbm>>, %arg3: memref<640x128xf32, #tpu.memory_space<hbm>>, %arg4: memref<128x128xf32, #tpu.memory_space<hbm>>, %arg5: memref<2x10240x128xf32, #tpu.memory_space<hbm>>, %arg6: memref<79x128xi32, #tpu.memory_space<vmem>>, %arg7: memref<128x128xf32, #tpu.memory_space<vmem>>, %arg8: memref<10240x128xf32, #tpu.memory_space<vmem_shared>>) attributes {dimension_semantics = [#tpu.dimension_semantics<core_parallel>, #tpu.dimension_semantics<subcore_parallel>], iteration_bounds = array<i64: 2, 16>, scalar_prefetch = 0 : i64, scratch_operands = 3 : i64, tpu.core_type = #tpu.core_type<sc_vector_subcore>, window_params = [{transform_indices = #map}, {transform_indices = #map1}, {transform_indices = #map1}, {transform_indices = #map}]} {
    %mul3A = arith.constant 16 : i32
    %mul3A_0 = arith.muli %arg0, %mul3A : i32
    %add3A = arith.addi %mul3A_0, %arg1 : i32
    "tpu.region"() ({
      %run_scoped3A = tpu.sem_alloc : memref<!tpu.dma_semaphore, #tpu.memory_space<semaphore_mem>>
      %dma_start3A = arith.constant 0 : i32
      %dma_start3A_13 = arith.constant 0 : i32
      %dma_start3A_14 = tpu.memref_slice %arg2[%add3A, %dma_start3A, %dma_start3A_13] : memref<32x79x128xi32, #tpu.memory_space<hbm>> -> memref<1x79x128xi32, #tpu.memory_space<hbm>>
      %dma_start3A_15 = tpu.memref_squeeze %dma_start3A_14 : memref<1x79x128xi32, #tpu.memory_space<hbm>> -> memref<79x128xi32, #tpu.memory_space<hbm>>
      %dma_start3A_16 = arith.constant 0 : i32
      %dma_start3A_17 = arith.constant 0 : i32
      %dma_start3A_18 = tpu.memref_slice %arg2[%add3A, %dma_start3A_16, %dma_start3A_17] : memref<32x79x128xi32, #tpu.memory_space<hbm>> -> memref<1x79x128xi32, #tpu.memory_space<hbm>>
      %dma_start3A_19 = tpu.memref_squeeze %dma_start3A_18 : memref<1x79x128xi32, #tpu.memory_space<hbm>> -> memref<79x128xi32, #tpu.memory_space<hbm>>
      tpu.enqueue_dma source(%dma_start3A_19 : memref<79x128xi32, #tpu.memory_space<hbm>>) target(%arg6 : memref<79x128xi32, #tpu.memory_space<vmem>>) target_semaphore(%run_scoped3A : memref<!tpu.dma_semaphore, #tpu.memory_space<semaphore_mem>>)
      %dma_wait3A = arith.constant 0 : i32
      %dma_wait3A_20 = arith.constant 0 : i32
      %dma_wait3A_21 = tpu.memref_slice %arg2[%add3A, %dma_wait3A, %dma_wait3A_20] : memref<32x79x128xi32, #tpu.memory_space<hbm>> -> memref<1x79x128xi32, #tpu.memory_space<hbm>>
      %dma_wait3A_22 = tpu.memref_squeeze %dma_wait3A_21 : memref<1x79x128xi32, #tpu.memory_space<hbm>> -> memref<79x128xi32, #tpu.memory_space<hbm>>
      %dma_wait3A_23 = arith.constant 0 : i32
      %dma_wait3A_24 = arith.constant 0 : i32
      %dma_wait3A_25 = tpu.memref_slice %arg2[%add3A, %dma_wait3A_23, %dma_wait3A_24] : memref<32x79x128xi32, #tpu.memory_space<hbm>> -> memref<1x79x128xi32, #tpu.memory_space<hbm>>
      %dma_wait3A_26 = tpu.memref_squeeze %dma_wait3A_25 : memref<1x79x128xi32, #tpu.memory_space<hbm>> -> memref<79x128xi32, #tpu.memory_space<hbm>>
      tpu.wait_dma2 semaphore(%run_scoped3A : memref<!tpu.dma_semaphore, #tpu.memory_space<semaphore_mem>>) src(%dma_wait3A_26 : memref<79x128xi32, #tpu.memory_space<hbm>>) dst(%arg6 : memref<79x128xi32, #tpu.memory_space<vmem>>)
      tpu.yield
    }) : () -> ()
    "tpu.region"() ({
      %run_scoped3A = tpu.sem_alloc : memref<!tpu.dma_semaphore, #tpu.memory_space<semaphore_mem>>
      tpu.enqueue_dma source(%arg4 : memref<128x128xf32, #tpu.memory_space<hbm>>) target(%arg7 : memref<128x128xf32, #tpu.memory_space<vmem>>) target_semaphore(%run_scoped3A : memref<!tpu.dma_semaphore, #tpu.memory_space<semaphore_mem>>)
      tpu.wait_dma2 semaphore(%run_scoped3A : memref<!tpu.dma_semaphore, #tpu.memory_space<semaphore_mem>>) src(%arg4 : memref<128x128xf32, #tpu.memory_space<hbm>>) dst(%arg7 : memref<128x128xf32, #tpu.memory_space<vmem>>)
      tpu.yield
    }) : () -> ()
    %mul3A_1 = arith.constant 640 : i32
    %mul3A_2 = arith.muli %arg1, %mul3A_1 : i32
    "tpu.region"() ({
      %run_scoped3A = tpu.sem_alloc : memref<!tpu.dma_semaphore, #tpu.memory_space<semaphore_mem>>
      %dma_start3A = arith.constant 0 : i32
      %dma_start3A_13 = tpu.memref_slice %arg8[%mul3A_2, %dma_start3A] : memref<10240x128xf32, #tpu.memory_space<vmem_shared>> -> memref<640x128xf32, #tpu.memory_space<vmem_shared>>
      tpu.enqueue_dma source(%arg3 : memref<640x128xf32, #tpu.memory_space<hbm>>) target(%dma_start3A_13 : memref<640x128xf32, #tpu.memory_space<vmem_shared>>) target_semaphore(%run_scoped3A : memref<!tpu.dma_semaphore, #tpu.memory_space<semaphore_mem>>)
      %dma_wait3A = arith.constant 0 : i32
      %dma_wait3A_14 = tpu.memref_slice %arg8[%mul3A_2, %dma_wait3A] : memref<10240x128xf32, #tpu.memory_space<vmem_shared>> -> memref<640x128xf32, #tpu.memory_space<vmem_shared>>
      tpu.wait_dma2 semaphore(%run_scoped3A : memref<!tpu.dma_semaphore, #tpu.memory_space<semaphore_mem>>) src(%arg3 : memref<640x128xf32, #tpu.memory_space<hbm>>) dst(%dma_wait3A_14 : memref<640x128xf32, #tpu.memory_space<vmem_shared>>)
      tpu.yield
    }) : () -> ()
    %barrier3A = arith.constant 0 : index
    tpu.barrier barrier_id(%barrier3A)
    %scan3A = arith.constant 0 : i32
    %scan3A_3 = arith.constant 0 : i32
    %scan3A_4 = arith.constant 79 : i32
    %scan3A_5 = arith.addi %scan3A_3, %scan3A_4 : i32
    %scan3A_6 = arith.constant 1 : i32
    scf.for %scan3A_13 = %scan3A_3 to %scan3A_5 step %scan3A_6  : i32 {
      "tpu.region"() ({
        %run_scoped3A = tpu.sem_alloc : memref<!tpu.dma_semaphore, #tpu.memory_space<semaphore_mem>>
        %dma_start3A = arith.constant 0 : i32
        %dma_start3A_14 = tpu.memref_slice %arg6[%scan3A_13, %dma_start3A] : memref<79x128xi32, #tpu.memory_space<vmem>> -> memref<1x128xi32, #tpu.memory_space<vmem>>
        %dma_start3A_15 = tpu.memref_squeeze %dma_start3A_14 : memref<1x128xi32, #tpu.memory_space<vmem>> -> memref<128xi32, #tpu.memory_space<vmem>>
        %dma_start3A_16 = arith.constant 0 : i32
        %dma_start3A_17 = arith.constant 0 : i32
        %dma_start3A_18 = tpu.memref_slice %arg8[%dma_start3A_16, %dma_start3A_17] : memref<10240x128xf32, #tpu.memory_space<vmem_shared>> -> memref<10240x128xf32, #tpu.memory_space<vmem_shared>>
        tpu.enqueue_indirect_dma source(%arg7 : memref<128x128xf32, #tpu.memory_space<vmem>>) target(%dma_start3A_18 : memref<10240x128xf32, #tpu.memory_space<vmem_shared>>) offsets(%dma_start3A_15 : memref<128xi32, #tpu.memory_space<vmem>>) semaphore(%run_scoped3A : memref<!tpu.dma_semaphore, #tpu.memory_space<semaphore_mem>>) {add = true}
        %dma_wait3A = arith.constant 0 : i32
        %dma_wait3A_19 = tpu.memref_slice %arg6[%scan3A_13, %dma_wait3A] : memref<79x128xi32, #tpu.memory_space<vmem>> -> memref<1x128xi32, #tpu.memory_space<vmem>>
        %dma_wait3A_20 = tpu.memref_squeeze %dma_wait3A_19 : memref<1x128xi32, #tpu.memory_space<vmem>> -> memref<128xi32, #tpu.memory_space<vmem>>
        %dma_wait3A_21 = arith.constant 0 : i32
        %dma_wait3A_22 = arith.constant 0 : i32
        %dma_wait3A_23 = tpu.memref_slice %arg8[%dma_wait3A_21, %dma_wait3A_22] : memref<10240x128xf32, #tpu.memory_space<vmem_shared>> -> memref<10240x128xf32, #tpu.memory_space<vmem_shared>>
        tpu.wait_indirect_dma semaphore(%run_scoped3A : memref<!tpu.dma_semaphore, #tpu.memory_space<semaphore_mem>>) src(%arg7 : memref<128x128xf32, #tpu.memory_space<vmem>>) dst(%dma_wait3A_23 : memref<10240x128xf32, #tpu.memory_space<vmem_shared>>)
        tpu.yield
      }) : () -> ()
    }
    %scan3A_7 = arith.constant 79 : i32
    %barrier3A_8 = arith.constant 0 : index
    tpu.barrier barrier_id(%barrier3A_8)
    %mul3A_9 = arith.constant 640 : i32
    %mul3A_10 = arith.muli %arg1, %mul3A_9 : i32
    %mul3A_11 = arith.constant 640 : i32
    %mul3A_12 = arith.muli %arg1, %mul3A_11 : i32
    "tpu.region"() ({
      %run_scoped3A = tpu.sem_alloc : memref<!tpu.dma_semaphore, #tpu.memory_space<semaphore_mem>>
      %dma_start3A = arith.constant 0 : i32
      %dma_start3A_13 = tpu.memref_slice %arg5[%arg0, %mul3A_12, %dma_start3A] : memref<2x10240x128xf32, #tpu.memory_space<hbm>> -> memref<1x640x128xf32, #tpu.memory_space<hbm>>
      %dma_start3A_14 = tpu.memref_squeeze %dma_start3A_13 : memref<1x640x128xf32, #tpu.memory_space<hbm>> -> memref<640x128xf32, #tpu.memory_space<hbm>>
      %dma_start3A_15 = arith.constant 0 : i32
      %dma_start3A_16 = tpu.memref_slice %arg8[%mul3A_10, %dma_start3A_15] : memref<10240x128xf32, #tpu.memory_space<vmem_shared>> -> memref<640x128xf32, #tpu.memory_space<vmem_shared>>
      tpu.enqueue_dma source(%dma_start3A_16 : memref<640x128xf32, #tpu.memory_space<vmem_shared>>) target(%dma_start3A_14 : memref<640x128xf32, #tpu.memory_space<hbm>>) target_semaphore(%run_scoped3A : memref<!tpu.dma_semaphore, #tpu.memory_space<semaphore_mem>>)
      %dma_wait3A = arith.constant 0 : i32
      %dma_wait3A_17 = tpu.memref_slice %arg5[%arg0, %mul3A_12, %dma_wait3A] : memref<2x10240x128xf32, #tpu.memory_space<hbm>> -> memref<1x640x128xf32, #tpu.memory_space<hbm>>
      %dma_wait3A_18 = tpu.memref_squeeze %dma_wait3A_17 : memref<1x640x128xf32, #tpu.memory_space<hbm>> -> memref<640x128xf32, #tpu.memory_space<hbm>>
      %dma_wait3A_19 = arith.constant 0 : i32
      %dma_wait3A_20 = tpu.memref_slice %arg8[%mul3A_10, %dma_wait3A_19] : memref<10240x128xf32, #tpu.memory_space<vmem_shared>> -> memref<640x128xf32, #tpu.memory_space<vmem_shared>>
      tpu.wait_dma2 semaphore(%run_scoped3A : memref<!tpu.dma_semaphore, #tpu.memory_space<semaphore_mem>>) src(%dma_wait3A_20 : memref<640x128xf32, #tpu.memory_space<vmem_shared>>) dst(%dma_wait3A_18 : memref<640x128xf32, #tpu.memory_space<hbm>>)
      tpu.yield
    }) : () -> ()
    return
  }
}

#map = affine_map<(d0, d1) -> (0, 0)>
#map1 = affine_map<(d0, d1) -> (0, 0, 0)>
module attributes {stable_mosaic.version = 14 : i64} {
  func.func @_seg_body(%arg0: i32, %arg1: i32, %arg2: memref<10000x128xf32, #tpu.memory_space<hbm>>, %arg3: memref<32x79x128xi32, #tpu.memory_space<hbm>>, %arg4: memref<32x79x128xi32, #tpu.memory_space<hbm>>, %arg5: memref<640x128xf32, #tpu.memory_space<hbm>>, %arg6: memref<2x10240x128xf32, #tpu.memory_space<hbm>>, %arg7: memref<79x128xi32, #tpu.memory_space<vmem>>, %arg8: memref<79x128xi32, #tpu.memory_space<vmem>>, %arg9: memref<128x128xf32, #tpu.memory_space<vmem>>, %arg10: memref<10240x128xf32, #tpu.memory_space<vmem_shared>>, %arg11: memref<!tpu.dma_semaphore, #tpu.memory_space<semaphore_mem>>) attributes {dimension_semantics = [#tpu.dimension_semantics<core_parallel>, #tpu.dimension_semantics<subcore_parallel>], iteration_bounds = array<i64: 2, 16>, scalar_prefetch = 0 : i64, scratch_operands = 5 : i64, tpu.core_type = #tpu.core_type<sc_vector_subcore>, window_params = [{transform_indices = #map}, {transform_indices = #map1}, {transform_indices = #map1}, {transform_indices = #map}, {transform_indices = #map1}]} {
    %mul3A = arith.constant 16 : i32
    %mul3A_0 = arith.muli %arg0, %mul3A : i32
    %add3A = arith.addi %mul3A_0, %arg1 : i32
    %mul3A_1 = arith.constant 640 : i32
    %mul3A_2 = arith.muli %arg1, %mul3A_1 : i32
    "tpu.region"() ({
      %run_scoped3A = tpu.sem_alloc : memref<!tpu.dma_semaphore, #tpu.memory_space<semaphore_mem>>
      %dma_start3A = arith.constant 0 : i32
      %dma_start3A_13 = tpu.memref_slice %arg10[%mul3A_2, %dma_start3A] : memref<10240x128xf32, #tpu.memory_space<vmem_shared>> -> memref<640x128xf32, #tpu.memory_space<vmem_shared>>
      tpu.enqueue_dma source(%arg5 : memref<640x128xf32, #tpu.memory_space<hbm>>) target(%dma_start3A_13 : memref<640x128xf32, #tpu.memory_space<vmem_shared>>) target_semaphore(%run_scoped3A : memref<!tpu.dma_semaphore, #tpu.memory_space<semaphore_mem>>)
      %dma_wait3A = arith.constant 0 : i32
      %dma_wait3A_14 = tpu.memref_slice %arg10[%mul3A_2, %dma_wait3A] : memref<10240x128xf32, #tpu.memory_space<vmem_shared>> -> memref<640x128xf32, #tpu.memory_space<vmem_shared>>
      tpu.wait_dma2 semaphore(%run_scoped3A : memref<!tpu.dma_semaphore, #tpu.memory_space<semaphore_mem>>) src(%arg5 : memref<640x128xf32, #tpu.memory_space<hbm>>) dst(%dma_wait3A_14 : memref<640x128xf32, #tpu.memory_space<vmem_shared>>)
      tpu.yield
    }) : () -> ()
    %barrier3A = arith.constant 0 : index
    tpu.barrier barrier_id(%barrier3A)
    "tpu.region"() ({
      %run_scoped3A = tpu.sem_alloc : memref<!tpu.dma_semaphore, #tpu.memory_space<semaphore_mem>>
      %dma_start3A = arith.constant 0 : i32
      %dma_start3A_13 = arith.constant 0 : i32
      %dma_start3A_14 = tpu.memref_slice %arg3[%add3A, %dma_start3A, %dma_start3A_13] : memref<32x79x128xi32, #tpu.memory_space<hbm>> -> memref<1x79x128xi32, #tpu.memory_space<hbm>>
      %dma_start3A_15 = tpu.memref_squeeze %dma_start3A_14 : memref<1x79x128xi32, #tpu.memory_space<hbm>> -> memref<79x128xi32, #tpu.memory_space<hbm>>
      %dma_start3A_16 = arith.constant 0 : i32
      %dma_start3A_17 = arith.constant 0 : i32
      %dma_start3A_18 = tpu.memref_slice %arg3[%add3A, %dma_start3A_16, %dma_start3A_17] : memref<32x79x128xi32, #tpu.memory_space<hbm>> -> memref<1x79x128xi32, #tpu.memory_space<hbm>>
      %dma_start3A_19 = tpu.memref_squeeze %dma_start3A_18 : memref<1x79x128xi32, #tpu.memory_space<hbm>> -> memref<79x128xi32, #tpu.memory_space<hbm>>
      tpu.enqueue_dma source(%dma_start3A_19 : memref<79x128xi32, #tpu.memory_space<hbm>>) target(%arg7 : memref<79x128xi32, #tpu.memory_space<vmem>>) target_semaphore(%run_scoped3A : memref<!tpu.dma_semaphore, #tpu.memory_space<semaphore_mem>>)
      %dma_wait3A = arith.constant 0 : i32
      %dma_wait3A_20 = arith.constant 0 : i32
      %dma_wait3A_21 = tpu.memref_slice %arg3[%add3A, %dma_wait3A, %dma_wait3A_20] : memref<32x79x128xi32, #tpu.memory_space<hbm>> -> memref<1x79x128xi32, #tpu.memory_space<hbm>>
      %dma_wait3A_22 = tpu.memref_squeeze %dma_wait3A_21 : memref<1x79x128xi32, #tpu.memory_space<hbm>> -> memref<79x128xi32, #tpu.memory_space<hbm>>
      %dma_wait3A_23 = arith.constant 0 : i32
      %dma_wait3A_24 = arith.constant 0 : i32
      %dma_wait3A_25 = tpu.memref_slice %arg3[%add3A, %dma_wait3A_23, %dma_wait3A_24] : memref<32x79x128xi32, #tpu.memory_space<hbm>> -> memref<1x79x128xi32, #tpu.memory_space<hbm>>
      %dma_wait3A_26 = tpu.memref_squeeze %dma_wait3A_25 : memref<1x79x128xi32, #tpu.memory_space<hbm>> -> memref<79x128xi32, #tpu.memory_space<hbm>>
      tpu.wait_dma2 semaphore(%run_scoped3A : memref<!tpu.dma_semaphore, #tpu.memory_space<semaphore_mem>>) src(%dma_wait3A_26 : memref<79x128xi32, #tpu.memory_space<hbm>>) dst(%arg7 : memref<79x128xi32, #tpu.memory_space<vmem>>)
      tpu.yield
    }) : () -> ()
    "tpu.region"() ({
      %run_scoped3A = tpu.sem_alloc : memref<!tpu.dma_semaphore, #tpu.memory_space<semaphore_mem>>
      %dma_start3A = arith.constant 0 : i32
      %dma_start3A_13 = arith.constant 0 : i32
      %dma_start3A_14 = tpu.memref_slice %arg4[%add3A, %dma_start3A, %dma_start3A_13] : memref<32x79x128xi32, #tpu.memory_space<hbm>> -> memref<1x79x128xi32, #tpu.memory_space<hbm>>
      %dma_start3A_15 = tpu.memref_squeeze %dma_start3A_14 : memref<1x79x128xi32, #tpu.memory_space<hbm>> -> memref<79x128xi32, #tpu.memory_space<hbm>>
      %dma_start3A_16 = arith.constant 0 : i32
      %dma_start3A_17 = arith.constant 0 : i32
      %dma_start3A_18 = tpu.memref_slice %arg4[%add3A, %dma_start3A_16, %dma_start3A_17] : memref<32x79x128xi32, #tpu.memory_space<hbm>> -> memref<1x79x128xi32, #tpu.memory_space<hbm>>
      %dma_start3A_19 = tpu.memref_squeeze %dma_start3A_18 : memref<1x79x128xi32, #tpu.memory_space<hbm>> -> memref<79x128xi32, #tpu.memory_space<hbm>>
      tpu.enqueue_dma source(%dma_start3A_19 : memref<79x128xi32, #tpu.memory_space<hbm>>) target(%arg8 : memref<79x128xi32, #tpu.memory_space<vmem>>) target_semaphore(%run_scoped3A : memref<!tpu.dma_semaphore, #tpu.memory_space<semaphore_mem>>)
      %dma_wait3A = arith.constant 0 : i32
      %dma_wait3A_20 = arith.constant 0 : i32
      %dma_wait3A_21 = tpu.memref_slice %arg4[%add3A, %dma_wait3A, %dma_wait3A_20] : memref<32x79x128xi32, #tpu.memory_space<hbm>> -> memref<1x79x128xi32, #tpu.memory_space<hbm>>
      %dma_wait3A_22 = tpu.memref_squeeze %dma_wait3A_21 : memref<1x79x128xi32, #tpu.memory_space<hbm>> -> memref<79x128xi32, #tpu.memory_space<hbm>>
      %dma_wait3A_23 = arith.constant 0 : i32
      %dma_wait3A_24 = arith.constant 0 : i32
      %dma_wait3A_25 = tpu.memref_slice %arg4[%add3A, %dma_wait3A_23, %dma_wait3A_24] : memref<32x79x128xi32, #tpu.memory_space<hbm>> -> memref<1x79x128xi32, #tpu.memory_space<hbm>>
      %dma_wait3A_26 = tpu.memref_squeeze %dma_wait3A_25 : memref<1x79x128xi32, #tpu.memory_space<hbm>> -> memref<79x128xi32, #tpu.memory_space<hbm>>
      tpu.wait_dma2 semaphore(%run_scoped3A : memref<!tpu.dma_semaphore, #tpu.memory_space<semaphore_mem>>) src(%dma_wait3A_26 : memref<79x128xi32, #tpu.memory_space<hbm>>) dst(%arg8 : memref<79x128xi32, #tpu.memory_space<vmem>>)
      tpu.yield
    }) : () -> ()
    %scan3A = arith.constant 0 : i32
    %scan3A_3 = arith.constant 0 : i32
    %scan3A_4 = arith.constant 79 : i32
    %scan3A_5 = arith.addi %scan3A_3, %scan3A_4 : i32
    %scan3A_6 = arith.constant 1 : i32
    scf.for %scan3A_13 = %scan3A_3 to %scan3A_5 step %scan3A_6  : i32 {
      %dma_start3A = arith.constant 0 : i32
      %dma_start3A_14 = tpu.memref_slice %arg7[%scan3A_13, %dma_start3A] : memref<79x128xi32, #tpu.memory_space<vmem>> -> memref<1x128xi32, #tpu.memory_space<vmem>>
      %dma_start3A_15 = tpu.memref_squeeze %dma_start3A_14 : memref<1x128xi32, #tpu.memory_space<vmem>> -> memref<128xi32, #tpu.memory_space<vmem>>
      %dma_start3A_16 = arith.constant 0 : i32
      %dma_start3A_17 = arith.constant 0 : i32
      %dma_start3A_18 = tpu.memref_slice %arg2[%dma_start3A_16, %dma_start3A_17] : memref<10000x128xf32, #tpu.memory_space<hbm>> -> memref<10000x128xf32, #tpu.memory_space<hbm>>
      tpu.enqueue_indirect_dma source(%dma_start3A_18 : memref<10000x128xf32, #tpu.memory_space<hbm>>) target(%arg9 : memref<128x128xf32, #tpu.memory_space<vmem>>) offsets(%dma_start3A_15 : memref<128xi32, #tpu.memory_space<vmem>>) semaphore(%arg11 : memref<!tpu.dma_semaphore, #tpu.memory_space<semaphore_mem>>)
      %dma_wait3A = arith.constant 0 : i32
      %dma_wait3A_19 = tpu.memref_slice %arg7[%scan3A_13, %dma_wait3A] : memref<79x128xi32, #tpu.memory_space<vmem>> -> memref<1x128xi32, #tpu.memory_space<vmem>>
      %dma_wait3A_20 = tpu.memref_squeeze %dma_wait3A_19 : memref<1x128xi32, #tpu.memory_space<vmem>> -> memref<128xi32, #tpu.memory_space<vmem>>
      %dma_wait3A_21 = arith.constant 0 : i32
      %dma_wait3A_22 = arith.constant 0 : i32
      %dma_wait3A_23 = tpu.memref_slice %arg2[%dma_wait3A_21, %dma_wait3A_22] : memref<10000x128xf32, #tpu.memory_space<hbm>> -> memref<10000x128xf32, #tpu.memory_space<hbm>>
      tpu.wait_indirect_dma semaphore(%arg11 : memref<!tpu.dma_semaphore, #tpu.memory_space<semaphore_mem>>) src(%dma_wait3A_23 : memref<10000x128xf32, #tpu.memory_space<hbm>>) dst(%arg9 : memref<128x128xf32, #tpu.memory_space<vmem>>)
      "tpu.region"() ({
        %run_scoped3A = tpu.sem_alloc : memref<!tpu.dma_semaphore, #tpu.memory_space<semaphore_mem>>
        %dma_start3A_24 = arith.constant 0 : i32
        %dma_start3A_25 = tpu.memref_slice %arg8[%scan3A_13, %dma_start3A_24] : memref<79x128xi32, #tpu.memory_space<vmem>> -> memref<1x128xi32, #tpu.memory_space<vmem>>
        %dma_start3A_26 = tpu.memref_squeeze %dma_start3A_25 : memref<1x128xi32, #tpu.memory_space<vmem>> -> memref<128xi32, #tpu.memory_space<vmem>>
        %dma_start3A_27 = arith.constant 0 : i32
        %dma_start3A_28 = arith.constant 0 : i32
        %dma_start3A_29 = tpu.memref_slice %arg10[%dma_start3A_27, %dma_start3A_28] : memref<10240x128xf32, #tpu.memory_space<vmem_shared>> -> memref<10240x128xf32, #tpu.memory_space<vmem_shared>>
        tpu.enqueue_indirect_dma source(%arg9 : memref<128x128xf32, #tpu.memory_space<vmem>>) target(%dma_start3A_29 : memref<10240x128xf32, #tpu.memory_space<vmem_shared>>) offsets(%dma_start3A_26 : memref<128xi32, #tpu.memory_space<vmem>>) semaphore(%run_scoped3A : memref<!tpu.dma_semaphore, #tpu.memory_space<semaphore_mem>>) {add = true}
        %dma_wait3A_30 = arith.constant 0 : i32
        %dma_wait3A_31 = tpu.memref_slice %arg8[%scan3A_13, %dma_wait3A_30] : memref<79x128xi32, #tpu.memory_space<vmem>> -> memref<1x128xi32, #tpu.memory_space<vmem>>
        %dma_wait3A_32 = tpu.memref_squeeze %dma_wait3A_31 : memref<1x128xi32, #tpu.memory_space<vmem>> -> memref<128xi32, #tpu.memory_space<vmem>>
        %dma_wait3A_33 = arith.constant 0 : i32
        %dma_wait3A_34 = arith.constant 0 : i32
        %dma_wait3A_35 = tpu.memref_slice %arg10[%dma_wait3A_33, %dma_wait3A_34] : memref<10240x128xf32, #tpu.memory_space<vmem_shared>> -> memref<10240x128xf32, #tpu.memory_space<vmem_shared>>
        tpu.wait_indirect_dma semaphore(%run_scoped3A : memref<!tpu.dma_semaphore, #tpu.memory_space<semaphore_mem>>) src(%arg9 : memref<128x128xf32, #tpu.memory_space<vmem>>) dst(%dma_wait3A_35 : memref<10240x128xf32, #tpu.memory_space<vmem_shared>>)
        tpu.yield
      }) : () -> ()
    }
    %scan3A_7 = arith.constant 79 : i32
    %barrier3A_8 = arith.constant 0 : index
    tpu.barrier barrier_id(%barrier3A_8)
    %mul3A_9 = arith.constant 640 : i32
    %mul3A_10 = arith.muli %arg1, %mul3A_9 : i32
    %mul3A_11 = arith.constant 640 : i32
    %mul3A_12 = arith.muli %arg1, %mul3A_11 : i32
    "tpu.region"() ({
      %run_scoped3A = tpu.sem_alloc : memref<!tpu.dma_semaphore, #tpu.memory_space<semaphore_mem>>
      %dma_start3A = arith.constant 0 : i32
      %dma_start3A_13 = tpu.memref_slice %arg6[%arg0, %mul3A_12, %dma_start3A] : memref<2x10240x128xf32, #tpu.memory_space<hbm>> -> memref<1x640x128xf32, #tpu.memory_space<hbm>>
      %dma_start3A_14 = tpu.memref_squeeze %dma_start3A_13 : memref<1x640x128xf32, #tpu.memory_space<hbm>> -> memref<640x128xf32, #tpu.memory_space<hbm>>
      %dma_start3A_15 = arith.constant 0 : i32
      %dma_start3A_16 = tpu.memref_slice %arg10[%mul3A_10, %dma_start3A_15] : memref<10240x128xf32, #tpu.memory_space<vmem_shared>> -> memref<640x128xf32, #tpu.memory_space<vmem_shared>>
      tpu.enqueue_dma source(%dma_start3A_16 : memref<640x128xf32, #tpu.memory_space<vmem_shared>>) target(%dma_start3A_14 : memref<640x128xf32, #tpu.memory_space<hbm>>) target_semaphore(%run_scoped3A : memref<!tpu.dma_semaphore, #tpu.memory_space<semaphore_mem>>)
      %dma_wait3A = arith.constant 0 : i32
      %dma_wait3A_17 = tpu.memref_slice %arg6[%arg0, %mul3A_12, %dma_wait3A] : memref<2x10240x128xf32, #tpu.memory_space<hbm>> -> memref<1x640x128xf32, #tpu.memory_space<hbm>>
      %dma_wait3A_18 = tpu.memref_squeeze %dma_wait3A_17 : memref<1x640x128xf32, #tpu.memory_space<hbm>> -> memref<640x128xf32, #tpu.memory_space<hbm>>
      %dma_wait3A_19 = arith.constant 0 : i32
      %dma_wait3A_20 = tpu.memref_slice %arg10[%mul3A_10, %dma_wait3A_19] : memref<10240x128xf32, #tpu.memory_space<vmem_shared>> -> memref<640x128xf32, #tpu.memory_space<vmem_shared>>
      tpu.wait_dma2 semaphore(%run_scoped3A : memref<!tpu.dma_semaphore, #tpu.memory_space<semaphore_mem>>) src(%dma_wait3A_20 : memref<640x128xf32, #tpu.memory_space<vmem_shared>>) dst(%dma_wait3A_18 : memref<640x128xf32, #tpu.memory_space<hbm>>)
      tpu.yield
    }) : () -> ()
    return
  }
}

module attributes {stable_mosaic.version = 14 : i64} {
  func.func @_tc1_body(%arg0: i32, %arg1: memref<1000x128xf32, #tpu.memory_space<vmem>>, %arg2: memref<128x128xf32, #tpu.memory_space<vmem>>, %arg3: memref<1000x128xf32, #tpu.memory_space<vmem>>, %arg4: memref<1000x128xf32, #tpu.memory_space<vmem>>, %arg5: memref<1000x128xf32, #tpu.memory_space<vmem>>) attributes {dimension_semantics = [#tpu.dimension_semantics<arbitrary>], iteration_bounds = array<i64: 10>, scalar_prefetch = 0 : i64, scratch_operands = 0 : i64, tpu.core_type = #tpu.core_type<tc>, window_params = [{transform_indices = @transform_0, window_bounds = array<i64: 1000, 128>}, {pipeline_mode = #tpu.pipeline_mode<synchronous>, transform_indices = @transform_1, window_bounds = array<i64: 128, 128>}, {transform_indices = @transform_2, window_bounds = array<i64: 1000, 128>}, {transform_indices = @transform_3, window_bounds = array<i64: 1000, 128>}, {transform_indices = @transform_4, window_bounds = array<i64: 1000, 128>}]} {
    %get3A = arith.constant 0 : index
    %get3A_0 = arith.constant 0 : index
    %get3A_1 = vector.load %arg1[%get3A, %get3A_0] : memref<1000x128xf32, #tpu.memory_space<vmem>>, vector<1000x128xf32>
    %get3A_2 = arith.constant 0 : index
    %get3A_3 = arith.constant 0 : index
    %get3A_4 = vector.load %arg2[%get3A_2, %get3A_3] : memref<128x128xf32, #tpu.memory_space<vmem>>, vector<128x128xf32>
    %dot_general3A = arith.constant dense<0.000000e+00> : vector<1000x128xf32>
    %dot_general3A_5 = tpu.matmul %get3A_1, %get3A_4, %dot_general3A {dimension_numbers = #tpu.dot_dimension_numbers<[1], [0], [0], [1], [0, 0, 1, 1], [], []>, transpose_lhs_hint = false} : vector<1000x128xf32>, vector<128x128xf32>, vector<1000x128xf32> -> vector<1000x128xf32>
    %get3A_6 = arith.constant 0 : index
    %get3A_7 = arith.constant 0 : index
    %get3A_8 = vector.load %arg3[%get3A_6, %get3A_7] : memref<1000x128xf32, #tpu.memory_space<vmem>>, vector<1000x128xf32>
    %get3A_9 = arith.constant 0 : index
    %get3A_10 = arith.constant 0 : index
    %get3A_11 = vector.load %arg4[%get3A_9, %get3A_10] : memref<1000x128xf32, #tpu.memory_space<vmem>>, vector<1000x128xf32>
    %slice3A = vector.extract_strided_slice %get3A_8 {offsets = [0, 0], sizes = [1000, 1], strides = [1, 1]} : vector<1000x128xf32> to vector<1000x1xf32>
    %slice3A_12 = vector.extract_strided_slice %get3A_11 {offsets = [0, 0], sizes = [1000, 1], strides = [1, 1]} : vector<1000x128xf32> to vector<1000x1xf32>
    %add3A = arith.addf %slice3A, %slice3A_12 : vector<1000x1xf32>
    %add3A_13 = arith.constant 1.000000e+00 : f32
    %add3A_14 = vector.broadcast %add3A_13 : f32 to vector<1000x1xf32>
    %add3A_15 = arith.addf %add3A, %add3A_14 : vector<1000x1xf32>
    %rsqrt3A = math.rsqrt %add3A_15 : vector<1000x1xf32>
    %mul3A = vector.broadcast %rsqrt3A : vector<1000x1xf32> to vector<1000x128xf32>
    %mul3A_16 = arith.mulf %dot_general3A_5, %mul3A : vector<1000x128xf32>
    %swap3A = arith.constant 0 : index
    %swap3A_17 = arith.constant 0 : index
    %swap3A_18 = vector.load %arg5[%swap3A, %swap3A_17] : memref<1000x128xf32, #tpu.memory_space<vmem>>, vector<1000x128xf32>
    tpu.vector_store %arg5[%swap3A, %swap3A_17], %mul3A_16 {strides = array<i32>} : memref<1000x128xf32, #tpu.memory_space<vmem>>, vector<1000x128xf32>,
    return
  }
  func.func @transform_0(%arg0: i32) -> (i32, i32) {
    %c0_i32 = arith.constant 0 : i32
    %c0_i32_0 = arith.constant 0 : i32
    return %arg0, %c0_i32 : i32, i32
  }
  func.func @transform_1(%arg0: i32) -> (i32, i32) {
    %c0_i32 = arith.constant 0 : i32
    %c0_i32_0 = arith.constant 0 : i32
    %c0_i32_1 = arith.constant 0 : i32
    return %c0_i32, %c0_i32_0 : i32, i32
  }
  func.func @transform_2(%arg0: i32) -> (i32, i32) {
    %c0_i32 = arith.constant 0 : i32
    %c0_i32_0 = arith.constant 0 : i32
    return %arg0, %c0_i32 : i32, i32
  }
  func.func @transform_3(%arg0: i32) -> (i32, i32) {
    %c0_i32 = arith.constant 0 : i32
    %c0_i32_0 = arith.constant 0 : i32
    return %arg0, %c0_i32 : i32, i32
  }
  func.func @transform_4(%arg0: i32) -> (i32, i32) {
    %c0_i32 = arith.constant 0 : i32
    %c0_i32_0 = arith.constant 0 : i32
    return %arg0, %c0_i32 : i32, i32
  }
}

module attributes {stable_mosaic.version = 14 : i64} {
  func.func @_tc2_body(%arg0: i32, %arg1: memref<1000x128xf32, #tpu.memory_space<vmem>>, %arg2: memref<1000x128xf32, #tpu.memory_space<vmem>>, %arg3: memref<1000x128xf32, #tpu.memory_space<vmem>>, %arg4: memref<1000x128xf32, #tpu.memory_space<vmem>>, %arg5: memref<1000x128xf32, #tpu.memory_space<vmem>>, %arg6: memref<1x128xf32, #tpu.memory_space<vmem>>, %arg7: memref<1x128xf32, #tpu.memory_space<vmem>>, %arg8: memref<1x128xf32, #tpu.memory_space<vmem>>, %arg9: memref<128x128xf32, #tpu.memory_space<vmem>>, %arg10: memref<1000x128xf32, #tpu.memory_space<vmem>>) attributes {dimension_semantics = [#tpu.dimension_semantics<arbitrary>], iteration_bounds = array<i64: 10>, scalar_prefetch = 0 : i64, scratch_operands = 0 : i64, tpu.core_type = #tpu.core_type<tc>, window_params = [{transform_indices = @transform_0, window_bounds = array<i64: 1000, 128>}, {transform_indices = @transform_1, window_bounds = array<i64: 1000, 128>}, {transform_indices = @transform_2, window_bounds = array<i64: 1000, 128>}, {transform_indices = @transform_3, window_bounds = array<i64: 1000, 128>}, {transform_indices = @transform_4, window_bounds = array<i64: 1000, 128>}, {pipeline_mode = #tpu.pipeline_mode<synchronous>, transform_indices = @transform_5, window_bounds = array<i64: 1, 128>}, {pipeline_mode = #tpu.pipeline_mode<synchronous>, transform_indices = @transform_6, window_bounds = array<i64: 1, 128>}, {pipeline_mode = #tpu.pipeline_mode<synchronous>, transform_indices = @transform_7, window_bounds = array<i64: 1, 128>}, {pipeline_mode = #tpu.pipeline_mode<synchronous>, transform_indices = @transform_8, window_bounds = array<i64: 128, 128>}, {transform_indices = @transform_9, window_bounds = array<i64: 1000, 128>}]} {
    %get3A = arith.constant 0 : index
    %get3A_0 = arith.constant 0 : index
    %get3A_1 = vector.load %arg4[%get3A, %get3A_0] : memref<1000x128xf32, #tpu.memory_space<vmem>>, vector<1000x128xf32>
    %get3A_2 = arith.constant 0 : index
    %get3A_3 = arith.constant 0 : index
    %get3A_4 = vector.load %arg5[%get3A_2, %get3A_3] : memref<1000x128xf32, #tpu.memory_space<vmem>>, vector<1000x128xf32>
    %slice3A = vector.extract_strided_slice %get3A_1 {offsets = [0, 0], sizes = [1000, 1], strides = [1, 1]} : vector<1000x128xf32> to vector<1000x1xf32>
    %slice3A_5 = vector.extract_strided_slice %get3A_4 {offsets = [0, 0], sizes = [1000, 1], strides = [1, 1]} : vector<1000x128xf32> to vector<1000x1xf32>
    %add3A = arith.addf %slice3A, %slice3A_5 : vector<1000x1xf32>
    %add3A_6 = arith.constant 1.000000e+00 : f32
    %add3A_7 = vector.broadcast %add3A_6 : f32 to vector<1000x1xf32>
    %add3A_8 = arith.addf %add3A, %add3A_7 : vector<1000x1xf32>
    %rsqrt3A = math.rsqrt %add3A_8 : vector<1000x1xf32>
    %get3A_9 = arith.constant 0 : index
    %get3A_10 = arith.constant 0 : index
    %get3A_11 = vector.load %arg1[%get3A_9, %get3A_10] : memref<1000x128xf32, #tpu.memory_space<vmem>>, vector<1000x128xf32>
    %get3A_12 = arith.constant 0 : index
    %get3A_13 = arith.constant 0 : index
    %get3A_14 = vector.load %arg2[%get3A_12, %get3A_13] : memref<1000x128xf32, #tpu.memory_space<vmem>>, vector<1000x128xf32>
    %add3A_15 = arith.addf %get3A_11, %get3A_14 : vector<1000x128xf32>
    %get3A_16 = arith.constant 0 : index
    %get3A_17 = arith.constant 0 : index
    %get3A_18 = vector.load %arg3[%get3A_16, %get3A_17] : memref<1000x128xf32, #tpu.memory_space<vmem>>, vector<1000x128xf32>
    %add3A_19 = arith.addf %add3A_15, %get3A_18 : vector<1000x128xf32>
    %mul3A = vector.broadcast %rsqrt3A : vector<1000x1xf32> to vector<1000x128xf32>
    %mul3A_20 = arith.mulf %add3A_19, %mul3A : vector<1000x128xf32>
    %get3A_21 = arith.constant 0 : index
    %get3A_22 = arith.constant 0 : index
    %get3A_23 = vector.load %arg6[%get3A_21, %get3A_22] : memref<1x128xf32, #tpu.memory_space<vmem>>, vector<1x128xf32>
    %add3A_24 = vector.broadcast %get3A_23 : vector<1x128xf32> to vector<1000x128xf32>
    %add3A_25 = arith.addf %mul3A_20, %add3A_24 : vector<1000x128xf32>
    %get3A_26 = arith.constant 0 : index
    %get3A_27 = arith.constant 0 : index
    %get3A_28 = vector.load %arg7[%get3A_26, %get3A_27] : memref<1x128xf32, #tpu.memory_space<vmem>>, vector<1x128xf32>
    %get3A_29 = arith.constant 0 : index
    %get3A_30 = arith.constant 0 : index
    %get3A_31 = vector.load %arg8[%get3A_29, %get3A_30] : memref<1x128xf32, #tpu.memory_space<vmem>>, vector<1x128xf32>
    %reduce_sum3A = arith.constant dense<0.000000e+00> : vector<1000xf32>
    %reduce_sum3A_32 = vector.multi_reduction <add>, %add3A_25, %reduce_sum3A [1] : vector<1000x128xf32> to vector<1000xf32>
    %broadcast_in_dim3A = vector.shape_cast %reduce_sum3A_32 : vector<1000xf32> to vector<1000x1xf32>
    %div3A = arith.constant 1.280000e+02 : f32
    %div3A_33 = vector.broadcast %div3A : f32 to vector<1000x1xf32>
    %div3A_34 = arith.divf %broadcast_in_dim3A, %div3A_33 : vector<1000x1xf32>
    %sub3A = vector.broadcast %div3A_34 : vector<1000x1xf32> to vector<1000x128xf32>
    %sub3A_35 = arith.subf %add3A_25, %sub3A : vector<1000x128xf32>
    %square3A = arith.mulf %sub3A_35, %sub3A_35 : vector<1000x128xf32>
    %reduce_sum3A_36 = arith.constant dense<0.000000e+00> : vector<1000xf32>
    %reduce_sum3A_37 = vector.multi_reduction <add>, %square3A, %reduce_sum3A_36 [1] : vector<1000x128xf32> to vector<1000xf32>
    %broadcast_in_dim3A_38 = vector.shape_cast %reduce_sum3A_37 : vector<1000xf32> to vector<1000x1xf32>
    %div3A_39 = arith.constant 1.280000e+02 : f32
    %div3A_40 = vector.broadcast %div3A_39 : f32 to vector<1000x1xf32>
    %div3A_41 = arith.divf %broadcast_in_dim3A_38, %div3A_40 : vector<1000x1xf32>
    %sub3A_42 = vector.broadcast %div3A_34 : vector<1000x1xf32> to vector<1000x128xf32>
    %sub3A_43 = arith.subf %add3A_25, %sub3A_42 : vector<1000x128xf32>
    %add3A_44 = arith.constant 9.99999974E-6 : f32
    %add3A_45 = vector.broadcast %add3A_44 : f32 to vector<1000x1xf32>
    %add3A_46 = arith.addf %div3A_41, %add3A_45 : vector<1000x1xf32>
    %rsqrt3A_47 = math.rsqrt %add3A_46 : vector<1000x1xf32>
    %mul3A_48 = vector.broadcast %rsqrt3A_47 : vector<1000x1xf32> to vector<1000x128xf32>
    %mul3A_49 = arith.mulf %sub3A_43, %mul3A_48 : vector<1000x128xf32>
    %mul3A_50 = vector.broadcast %get3A_28 : vector<1x128xf32> to vector<1000x128xf32>
    %mul3A_51 = arith.mulf %mul3A_49, %mul3A_50 : vector<1000x128xf32>
    %add3A_52 = vector.broadcast %get3A_31 : vector<1x128xf32> to vector<1000x128xf32>
    %add3A_53 = arith.addf %mul3A_51, %add3A_52 : vector<1000x128xf32>
    %max3A = arith.constant 0.000000e+00 : f32
    %max3A_54 = vector.broadcast %max3A : f32 to vector<1000x128xf32>
    %max3A_55 = arith.maximumf %add3A_53, %max3A_54 : vector<1000x128xf32>
    %get3A_56 = arith.constant 0 : index
    %get3A_57 = arith.constant 0 : index
    %get3A_58 = vector.load %arg9[%get3A_56, %get3A_57] : memref<128x128xf32, #tpu.memory_space<vmem>>, vector<128x128xf32>
    %dot_general3A = arith.constant dense<0.000000e+00> : vector<1000x128xf32>
    %dot_general3A_59 = tpu.matmul %max3A_55, %get3A_58, %dot_general3A {dimension_numbers = #tpu.dot_dimension_numbers<[1], [0], [0], [1], [0, 0, 1, 1], [], []>, transpose_lhs_hint = false} : vector<1000x128xf32>, vector<128x128xf32>, vector<1000x128xf32> -> vector<1000x128xf32>
    %mul3A_60 = vector.broadcast %rsqrt3A : vector<1000x1xf32> to vector<1000x128xf32>
    %mul3A_61 = arith.mulf %dot_general3A_59, %mul3A_60 : vector<1000x128xf32>
    %swap3A = arith.constant 0 : index
    %swap3A_62 = arith.constant 0 : index
    %swap3A_63 = vector.load %arg10[%swap3A, %swap3A_62] : memref<1000x128xf32, #tpu.memory_space<vmem>>, vector<1000x128xf32>
    tpu.vector_store %arg10[%swap3A, %swap3A_62], %mul3A_61 {strides = array<i32>} : memref<1000x128xf32, #tpu.memory_space<vmem>>, vector<1000x128xf32>,
    return
  }
  func.func @transform_0(%arg0: i32) -> (i32, i32) {
    %c0_i32 = arith.constant 0 : i32
    %c0_i32_0 = arith.constant 0 : i32
    return %arg0, %c0_i32 : i32, i32
  }
  func.func @transform_1(%arg0: i32) -> (i32, i32) {
    %c0_i32 = arith.constant 0 : i32
    %c0_i32_0 = arith.constant 0 : i32
    return %arg0, %c0_i32 : i32, i32
  }
  func.func @transform_2(%arg0: i32) -> (i32, i32) {
    %c0_i32 = arith.constant 0 : i32
    %c0_i32_0 = arith.constant 0 : i32
    return %arg0, %c0_i32 : i32, i32
  }
  func.func @transform_3(%arg0: i32) -> (i32, i32) {
    %c0_i32 = arith.constant 0 : i32
    %c0_i32_0 = arith.constant 0 : i32
    return %arg0, %c0_i32 : i32, i32
  }
  func.func @transform_4(%arg0: i32) -> (i32, i32) {
    %c0_i32 = arith.constant 0 : i32
    %c0_i32_0 = arith.constant 0 : i32
    return %arg0, %c0_i32 : i32, i32
  }
  func.func @transform_5(%arg0: i32) -> (i32, i32) {
    %c0_i32 = arith.constant 0 : i32
    %c0_i32_0 = arith.constant 0 : i32
    %c0_i32_1 = arith.constant 0 : i32
    return %c0_i32, %c0_i32_0 : i32, i32
  }
  func.func @transform_6(%arg0: i32) -> (i32, i32) {
    %c0_i32 = arith.constant 0 : i32
    %c0_i32_0 = arith.constant 0 : i32
    %c0_i32_1 = arith.constant 0 : i32
    return %c0_i32, %c0_i32_0 : i32, i32
  }
  func.func @transform_7(%arg0: i32) -> (i32, i32) {
    %c0_i32 = arith.constant 0 : i32
    %c0_i32_0 = arith.constant 0 : i32
    %c0_i32_1 = arith.constant 0 : i32
    return %c0_i32, %c0_i32_0 : i32, i32
  }
  func.func @transform_8(%arg0: i32) -> (i32, i32) {
    %c0_i32 = arith.constant 0 : i32
    %c0_i32_0 = arith.constant 0 : i32
    %c0_i32_1 = arith.constant 0 : i32
    return %c0_i32, %c0_i32_0 : i32, i32
  }
  func.func @transform_9(%arg0: i32) -> (i32, i32) {
    %c0_i32 = arith.constant 0 : i32
    %c0_i32_0 = arith.constant 0 : i32
    return %arg0, %c0_i32 : i32, i32
  }
}

module attributes {stable_mosaic.version = 14 : i64} {
  func.func @_tc3_body(%arg0: i32, %arg1: memref<1000x128xf32, #tpu.memory_space<vmem>>, %arg2: memref<1000x128xf32, #tpu.memory_space<vmem>>, %arg3: memref<1000x128xf32, #tpu.memory_space<vmem>>, %arg4: memref<1000x128xf32, #tpu.memory_space<vmem>>, %arg5: memref<1000x128xf32, #tpu.memory_space<vmem>>, %arg6: memref<1x128xf32, #tpu.memory_space<vmem>>, %arg7: memref<1x128xf32, #tpu.memory_space<vmem>>, %arg8: memref<1x128xf32, #tpu.memory_space<vmem>>, %arg9: memref<1000x128xf32, #tpu.memory_space<vmem>>, %arg10: memref<1000x128xf32, #tpu.memory_space<vmem>>) attributes {dimension_semantics = [#tpu.dimension_semantics<arbitrary>], iteration_bounds = array<i64: 10>, scalar_prefetch = 0 : i64, scratch_operands = 0 : i64, tpu.core_type = #tpu.core_type<tc>, window_params = [{transform_indices = @transform_0, window_bounds = array<i64: 1000, 128>}, {transform_indices = @transform_1, window_bounds = array<i64: 1000, 128>}, {transform_indices = @transform_2, window_bounds = array<i64: 1000, 128>}, {transform_indices = @transform_3, window_bounds = array<i64: 1000, 128>}, {transform_indices = @transform_4, window_bounds = array<i64: 1000, 128>}, {pipeline_mode = #tpu.pipeline_mode<synchronous>, transform_indices = @transform_5, window_bounds = array<i64: 1, 128>}, {pipeline_mode = #tpu.pipeline_mode<synchronous>, transform_indices = @transform_6, window_bounds = array<i64: 1, 128>}, {pipeline_mode = #tpu.pipeline_mode<synchronous>, transform_indices = @transform_7, window_bounds = array<i64: 1, 128>}, {transform_indices = @transform_8, window_bounds = array<i64: 1000, 128>}, {transform_indices = @transform_9, window_bounds = array<i64: 1000, 128>}]} {
    %get3A = arith.constant 0 : index
    %get3A_0 = arith.constant 0 : index
    %get3A_1 = vector.load %arg4[%get3A, %get3A_0] : memref<1000x128xf32, #tpu.memory_space<vmem>>, vector<1000x128xf32>
    %get3A_2 = arith.constant 0 : index
    %get3A_3 = arith.constant 0 : index
    %get3A_4 = vector.load %arg5[%get3A_2, %get3A_3] : memref<1000x128xf32, #tpu.memory_space<vmem>>, vector<1000x128xf32>
    %slice3A = vector.extract_strided_slice %get3A_1 {offsets = [0, 0], sizes = [1000, 1], strides = [1, 1]} : vector<1000x128xf32> to vector<1000x1xf32>
    %slice3A_5 = vector.extract_strided_slice %get3A_4 {offsets = [0, 0], sizes = [1000, 1], strides = [1, 1]} : vector<1000x128xf32> to vector<1000x1xf32>
    %add3A = arith.addf %slice3A, %slice3A_5 : vector<1000x1xf32>
    %add3A_6 = arith.constant 1.000000e+00 : f32
    %add3A_7 = vector.broadcast %add3A_6 : f32 to vector<1000x1xf32>
    %add3A_8 = arith.addf %add3A, %add3A_7 : vector<1000x1xf32>
    %rsqrt3A = math.rsqrt %add3A_8 : vector<1000x1xf32>
    %get3A_9 = arith.constant 0 : index
    %get3A_10 = arith.constant 0 : index
    %get3A_11 = vector.load %arg1[%get3A_9, %get3A_10] : memref<1000x128xf32, #tpu.memory_space<vmem>>, vector<1000x128xf32>
    %get3A_12 = arith.constant 0 : index
    %get3A_13 = arith.constant 0 : index
    %get3A_14 = vector.load %arg2[%get3A_12, %get3A_13] : memref<1000x128xf32, #tpu.memory_space<vmem>>, vector<1000x128xf32>
    %add3A_15 = arith.addf %get3A_11, %get3A_14 : vector<1000x128xf32>
    %get3A_16 = arith.constant 0 : index
    %get3A_17 = arith.constant 0 : index
    %get3A_18 = vector.load %arg3[%get3A_16, %get3A_17] : memref<1000x128xf32, #tpu.memory_space<vmem>>, vector<1000x128xf32>
    %add3A_19 = arith.addf %add3A_15, %get3A_18 : vector<1000x128xf32>
    %mul3A = vector.broadcast %rsqrt3A : vector<1000x1xf32> to vector<1000x128xf32>
    %mul3A_20 = arith.mulf %add3A_19, %mul3A : vector<1000x128xf32>
    %get3A_21 = arith.constant 0 : index
    %get3A_22 = arith.constant 0 : index
    %get3A_23 = vector.load %arg6[%get3A_21, %get3A_22] : memref<1x128xf32, #tpu.memory_space<vmem>>, vector<1x128xf32>
    %add3A_24 = vector.broadcast %get3A_23 : vector<1x128xf32> to vector<1000x128xf32>
    %add3A_25 = arith.addf %mul3A_20, %add3A_24 : vector<1000x128xf32>
    %get3A_26 = arith.constant 0 : index
    %get3A_27 = arith.constant 0 : index
    %get3A_28 = vector.load %arg7[%get3A_26, %get3A_27] : memref<1x128xf32, #tpu.memory_space<vmem>>, vector<1x128xf32>
    %get3A_29 = arith.constant 0 : index
    %get3A_30 = arith.constant 0 : index
    %get3A_31 = vector.load %arg8[%get3A_29, %get3A_30] : memref<1x128xf32, #tpu.memory_space<vmem>>, vector<1x128xf32>
    %reduce_sum3A = arith.constant dense<0.000000e+00> : vector<1000xf32>
    %reduce_sum3A_32 = vector.multi_reduction <add>, %add3A_25, %reduce_sum3A [1] : vector<1000x128xf32> to vector<1000xf32>
    %broadcast_in_dim3A = vector.shape_cast %reduce_sum3A_32 : vector<1000xf32> to vector<1000x1xf32>
    %div3A = arith.constant 1.280000e+02 : f32
    %div3A_33 = vector.broadcast %div3A : f32 to vector<1000x1xf32>
    %div3A_34 = arith.divf %broadcast_in_dim3A, %div3A_33 : vector<1000x1xf32>
    %sub3A = vector.broadcast %div3A_34 : vector<1000x1xf32> to vector<1000x128xf32>
    %sub3A_35 = arith.subf %add3A_25, %sub3A : vector<1000x128xf32>
    %square3A = arith.mulf %sub3A_35, %sub3A_35 : vector<1000x128xf32>
    %reduce_sum3A_36 = arith.constant dense<0.000000e+00> : vector<1000xf32>
    %reduce_sum3A_37 = vector.multi_reduction <add>, %square3A, %reduce_sum3A_36 [1] : vector<1000x128xf32> to vector<1000xf32>
    %broadcast_in_dim3A_38 = vector.shape_cast %reduce_sum3A_37 : vector<1000xf32> to vector<1000x1xf32>
    %div3A_39 = arith.constant 1.280000e+02 : f32
    %div3A_40 = vector.broadcast %div3A_39 : f32 to vector<1000x1xf32>
    %div3A_41 = arith.divf %broadcast_in_dim3A_38, %div3A_40 : vector<1000x1xf32>
    %sub3A_42 = vector.broadcast %div3A_34 : vector<1000x1xf32> to vector<1000x128xf32>
    %sub3A_43 = arith.subf %add3A_25, %sub3A_42 : vector<1000x128xf32>
    %add3A_44 = arith.constant 9.99999974E-6 : f32
    %add3A_45 = vector.broadcast %add3A_44 : f32 to vector<1000x1xf32>
    %add3A_46 = arith.addf %div3A_41, %add3A_45 : vector<1000x1xf32>
    %rsqrt3A_47 = math.rsqrt %add3A_46 : vector<1000x1xf32>
    %mul3A_48 = vector.broadcast %rsqrt3A_47 : vector<1000x1xf32> to vector<1000x128xf32>
    %mul3A_49 = arith.mulf %sub3A_43, %mul3A_48 : vector<1000x128xf32>
    %mul3A_50 = vector.broadcast %get3A_28 : vector<1x128xf32> to vector<1000x128xf32>
    %mul3A_51 = arith.mulf %mul3A_49, %mul3A_50 : vector<1000x128xf32>
    %add3A_52 = vector.broadcast %get3A_31 : vector<1x128xf32> to vector<1000x128xf32>
    %add3A_53 = arith.addf %mul3A_51, %add3A_52 : vector<1000x128xf32>
    %max3A = arith.constant 0.000000e+00 : f32
    %max3A_54 = vector.broadcast %max3A : f32 to vector<1000x128xf32>
    %max3A_55 = arith.maximumf %add3A_53, %max3A_54 : vector<1000x128xf32>
    %get3A_56 = arith.constant 0 : index
    %get3A_57 = arith.constant 0 : index
    %get3A_58 = vector.load %arg9[%get3A_56, %get3A_57] : memref<1000x128xf32, #tpu.memory_space<vmem>>, vector<1000x128xf32>
    %add3A_59 = arith.addf %max3A_55, %get3A_58 : vector<1000x128xf32>
    %swap3A = arith.constant 0 : index
    %swap3A_60 = arith.constant 0 : index
    %swap3A_61 = vector.load %arg10[%swap3A, %swap3A_60] : memref<1000x128xf32, #tpu.memory_space<vmem>>, vector<1000x128xf32>
    tpu.vector_store %arg10[%swap3A, %swap3A_60], %add3A_59 {strides = array<i32>} : memref<1000x128xf32, #tpu.memory_space<vmem>>, vector<1000x128xf32>,
    return
  }
  func.func @transform_0(%arg0: i32) -> (i32, i32) {
    %c0_i32 = arith.constant 0 : i32
    %c0_i32_0 = arith.constant 0 : i32
    return %arg0, %c0_i32 : i32, i32
  }
  func.func @transform_1(%arg0: i32) -> (i32, i32) {
    %c0_i32 = arith.constant 0 : i32
    %c0_i32_0 = arith.constant 0 : i32
    return %arg0, %c0_i32 : i32, i32
  }
  func.func @transform_2(%arg0: i32) -> (i32, i32) {
    %c0_i32 = arith.constant 0 : i32
    %c0_i32_0 = arith.constant 0 : i32
    return %arg0, %c0_i32 : i32, i32
  }
  func.func @transform_3(%arg0: i32) -> (i32, i32) {
    %c0_i32 = arith.constant 0 : i32
    %c0_i32_0 = arith.constant 0 : i32
    return %arg0, %c0_i32 : i32, i32
  }
  func.func @transform_4(%arg0: i32) -> (i32, i32) {
    %c0_i32 = arith.constant 0 : i32
    %c0_i32_0 = arith.constant 0 : i32
    return %arg0, %c0_i32 : i32, i32
  }
  func.func @transform_5(%arg0: i32) -> (i32, i32) {
    %c0_i32 = arith.constant 0 : i32
    %c0_i32_0 = arith.constant 0 : i32
    %c0_i32_1 = arith.constant 0 : i32
    return %c0_i32, %c0_i32_0 : i32, i32
  }
  func.func @transform_6(%arg0: i32) -> (i32, i32) {
    %c0_i32 = arith.constant 0 : i32
    %c0_i32_0 = arith.constant 0 : i32
    %c0_i32_1 = arith.constant 0 : i32
    return %c0_i32, %c0_i32_0 : i32, i32
  }
  func.func @transform_7(%arg0: i32) -> (i32, i32) {
    %c0_i32 = arith.constant 0 : i32
    %c0_i32_0 = arith.constant 0 : i32
    %c0_i32_1 = arith.constant 0 : i32
    return %c0_i32, %c0_i32_0 : i32, i32
  }
  func.func @transform_8(%arg0: i32) -> (i32, i32) {
    %c0_i32 = arith.constant 0 : i32
    %c0_i32_0 = arith.constant 0 : i32
    return %arg0, %c0_i32 : i32, i32
  }
  func.func @transform_9(%arg0: i32) -> (i32, i32) {
    %c0_i32 = arith.constant 0 : i32
    %c0_i32_0 = arith.constant 0 : i32
    return %arg0, %c0_i32 : i32, i32
  }
}

</mosaic_0001>

<sc_bundles>
// kernel: kernel.11.cloned.1.call-start
scs
__scs_entry_jumppad:
0x0: {  	(pc) =	sbr.rel $0x88, $3  }
0x1: {  	(tag) =	ssettag $0x0;
	lr =	simm.s32 $0x1  }
0x2: {  	[smem:$0x3F97] =	sst lr;
	_ =	strace $0xD0000000  }
0x3: {  	_ = 	snop  }
0x4: {  	_ = 	snop  }
0x5: {  	_ = 	snop  }
0x6: {  	_ = 	snop  }
0x7: {  	_ = 	snop  }
__scs_overlays_trampoline_lowered:
0x8: {  	[smem:$0x3FA6] =	sst s0  }
0x9: {  	[smem:$0x3FA7] =	sst s1  }
0xa: {  	[smem:$0x3FA8] =	sst s2  }
0xb: {  	[smem:$0x3FA9] =	sst s3  }
0xc: {  	[smem:$0x3FAA] =	sst s4  }
0xd: {  	[smem:$0x3FAB] =	sst s5  }
0xe: {  	[smem:$0x3FAC] =	sst s6  }
0xf: {  	[smem:$0x3FAD] =	sst s7  }
0x10: {  	[smem:$0x3FAE] =	sst s8  }
0x11: {  	[smem:$0x3FAF] =	sst s9;
	s0 =	simm.s32 @!p0 $0x0  }
0x12: {  	s1 =	sld [smem:$0x3F95];
	s0 =	simm.s32 @p0 $0x1  }
0x13: {  	[smem:$0x3FB0] =	sst s0;
	s0 =	simm.s32 @!p1 $0x0  }
0x14: {  	s2 =	sld [smem:$0x3F94];
	s0 =	simm.s32 @p1 $0x1  }
0x15: {  	[smem:$0x3FB1] =	sst s0;
	s0 =	simm.s32 @!p2 $0x0  }
0x16: {  	s3 =	sld [smem:$0x3FDB];
	s0 =	simm.s32 @p2 $0x1  }
0x17: {  	s4 =	simm.s32 $0x1BF5;
	[smem:$0x3FB3] =	sst s0  }
0x18: {  	s0 =	sld [smem:$0x3F96];
	_ =	swait.ge [sflag:s4], $0x0  }
0x19: {  	s7 =	sld [smem:$0x3F97]  }
0x1a: {  	s8 =	sadd.s32 $0xFFFFE003, lr  }
0x1b: {  	s9 =	sadd.s32 $0xFFFFFEF7, lr;
	s5 =	simm.s32 $0xFFFFFFFF;
	p2 =	slt.u32 s8, $0xFFFFF086  }
0x1c: {  	p1 =	slt.u32 s9, $0xF7A;
	s5 =	simm.s32 @!p2 $0x0  }
0x1d: {  	s5 =	simm.s32 @p1 $0x1;
	p0 =	seq.s32 s7, s2  }
0x1e: {  	s7 =	smul.u32 @!p0 $0xF7A, s2;
	p2 =	seq.s32 @!p0 s5, $0x0  }
0x1f: {  	s9 =	smul.u32 $0xF7A, s1;
	s8 =	simm.s32 @!p0 $0x1BF5;
	p2 =	por !p2, p0  }
0x20: {  	[sflag:s8] =	ssyncset.s32 @!p0 $0xFFFFF086;
	s6 =	sadd.s32 @!p0 s3, s7;
	s7 =	simm.s32 @!p0 $0x108  }
0x21: {  	s3 =	sadd.s32 s3, s9;
	s6 =	sadd.s32 @!p0 $0x88, s6;
	s7 =	simm.s32 @p2 $0x1082  }
0x22: {  	[simem:s7], [sflag:s8] =	dma.local @!p0 [hbm:s6], $0xF7A  }
0x23: {  	s9 =	sor.u32 $0xD0000000, s2;
	s6 =	simm.s32 $0x108;
	_ =	swait.ge @!p0 [sflag:s8], $0x0  }
0x24: {  	s3 =	sadd.s32 $0x88, s3;
	s6 =	simm.s32 @!p1 $0x1082;
	[sflag:s4] =	ssyncset.s32 $0xFFFFF086  }
0x25: {  	[simem:s6], [sflag:s4] =	dma.local [hbm:s3], $0xF7A  }
0x26: {  	[smem:$0x3F97] =	sst s1;
	(tag) =	ssettag s2;
	_ =	strace s9  }
0x27: {  	s1 =	sld [smem:$0x3FA7]  }
0x28: {  	s2 =	sld [smem:$0x3FA8]  }
0x29: {  	s4 =	sld [smem:$0x3FAA]  }
0x2a: {  	p0 =	seq.s32 s5, $0x0;
	s5 =	sld [smem:$0x3FAB]  }
0x2b: {  	s6 =	sld [smem:$0x3FAC]  }
0x2c: {  	s7 =	sld [smem:$0x3FAD]  }
0x2d: {  	s3 =	simm.s32 $0x108;
	s8 =	sld [smem:$0x3FAE]  }
0x2e: {  	s3 =	simm.s32 @!p0 $0x1082;
	s9 =	sld [smem:$0x3FAF]  }
0x2f: {  	lr =	sadd.s32 s0, s3;
	s0 =	sld [smem:$0x3FA6]  }
0x30: {  	s3 =	sld [smem:$0x3FA9]  }
0x31: {  	[smem:$0x3FB2] =	sst s10  }
0x32: {  	s10 =	sld [smem:$0x3FB0];
	_ =	sdelay $0x3  }
0x33: {  	p0 =	seq.s32 s10, $0x1;
	s10 =	sld [smem:$0x3FB2];
	_ =	sdelay $0x3  }
0x34: {  	[smem:$0x3FB2] =	sst s10  }
0x35: {  	s10 =	sld [smem:$0x3FB1];
	_ =	sdelay $0x3  }
0x36: {  	p1 =	seq.s32 s10, $0x1;
	s10 =	sld [smem:$0x3FB2];
	_ =	sdelay $0x3  }
0x37: {  	[smem:$0x3FB2] =	sst s10  }
0x38: {  	s10 =	sld [smem:$0x3FB3]  }
0x39: {  	_ = 	snop;
	(pc) =	sbr.ind lr, $3  }
0x3a: {  	_ = 	snop  }
0x3b: {  	_ = 	snop  }
0x3c: {  	p2 =	seq.s32 s10, $0x1;
	s10 =	sld [smem:$0x3FB2]  }
0x3d: {  	_ =	shalt  }
0x3e: {  	_ =	shalt  }
0x3f: {  	_ =	shalt  }
0x40: {  	_ =	shalt  }
0x41: {  	_ =	shalt  }
0x42: {  	_ =	shalt  }
0x43: {  	_ =	shalt  }
0x44: {  	_ =	shalt  }
0x45: {  	_ =	shalt  }
0x46: {  	_ =	shalt  }
0x47: {  	_ =	shalt  }
0x48: {  	_ =	shalt  }
0x49: {  	_ =	shalt  }
0x4a: {  	_ =	shalt  }
0x4b: {  	_ =	shalt  }
0x4c: {  	_ =	shalt  }
0x4d: {  	_ =	shalt  }
0x4e: {  	_ =	shalt  }
0x4f: {  	_ =	shalt  }
0x50: {  	_ =	shalt  }
0x51: {  	_ =	shalt  }
0x52: {  	_ =	shalt  }
0x53: {  	_ =	shalt  }
0x54: {  	_ =	shalt  }
0x55: {  	_ =	shalt  }
0x56: {  	_ =	shalt  }
0x57: {  	_ =	shalt  }
0x58: {  	_ =	shalt  }
0x59: {  	_ =	shalt  }
0x5a: {  	_ =	shalt  }
0x5b: {  	_ =	shalt  }
0x5c: {  	_ =	shalt  }
0x5d: {  	_ =	shalt  }
0x5e: {  	_ =	shalt  }
0x5f: {  	_ =	shalt  }
0x60: {  	_ =	shalt  }
0x61: {  	_ =	shalt  }
0x62: {  	_ =	shalt  }
0x63: {  	_ =	shalt  }
0x64: {  	_ =	shalt  }
0x65: {  	_ =	shalt  }
0x66: {  	_ =	shalt  }
0x67: {  	_ =	shalt  }
0x68: {  	_ =	shalt  }
0x69: {  	_ =	shalt  }
0x6a: {  	_ =	shalt  }
0x6b: {  	_ =	shalt  }
0x6c: {  	_ =	shalt  }
0x6d: {  	_ =	shalt  }
0x6e: {  	_ =	shalt  }
0x6f: {  	_ =	shalt  }
0x70: {  	_ =	shalt  }
0x71: {  	_ =	shalt  }
0x72: {  	_ =	shalt  }
0x73: {  	_ =	shalt  }
0x74: {  	_ =	shalt  }
0x75: {  	_ =	shalt  }
0x76: {  	_ =	shalt  }
0x77: {  	_ =	shalt  }
0x78: {  	_ =	shalt  }
0x79: {  	_ =	shalt  }
0x7a: {  	_ =	shalt  }
0x7b: {  	_ =	shalt  }
0x7c: {  	_ =	shalt  }
0x7d: {  	_ =	shalt  }
0x7e: {  	_ =	shalt  }
0x7f: {  	_ =	shalt  }
0x80: {  	_ =	shalt  }
0x81: {  	_ =	shalt  }
0x82: {  	_ =	shalt  }
0x83: {  	_ =	shalt  }
0x84: {  	_ =	shalt  }
0x85: {  	_ =	shalt  }
0x86: {  	_ =	shalt  }
0x87: {  	_ =	shalt  }
.Lfunc_end0:
.L_simem_size_0:
called_computation.1_lowered:
.L_overlay_start_0:
0x88: {  	s2 =	sld [smem:$0x3FD9]  }
0x89: {  	s3 =	sld [smem:$0x3FFE];
	_ =	sdelay $0x1  }
0x8a: {  	s1 =	srdreg.scid  }
0x8b: {  	s0 =	sand.u32 $0x1, s1  }
0x8c: {  	s17 =	sshll.u32 s0, $0xA;
	s2 =	sadd.s32 s3, s2  }
0x8d: {  	s2 =	sadd.s32 s2, s17  }
0x8e: {  	[smem:$0x3FBE] =	sst s2  }
0x8f: {  	_ = 	snop  }
0x90: {  	s2 =	sld [smem:$0x3FD0];
	(tm) =	ssettm $0x1  }
0x91: {  	s18 =	sld [smem:$0x3FFB];
	_ =	sdelay $0x3  }
0x92: {  	_ =	strace s18  }
0x93: {  	s3 =	sld [smem:$0x3FFC];
	_ =	sdelay $0x3  }
0x94: {  	_ =	strace s3  }
0x95: {  	s3 =	sld [smem:$0x3FFD];
	_ =	sdelay $0x3  }
0x96: {  	_ =	strace s3  }
0x97: {  	_ =	strace $0x8FFFFFFF  }
0x98: {  	s19 =	sld [smem:$0x3FDB];
	_ =	sdelay $0x1  }
0x99: {  	s4 =	simm.s32 $_scs_section_size  }
0x9a: {  	s5 =	simm.s32 $_size__tile_overlayer_lowered;
	s6 =	simm.s32 $_tile_overlayer_lowered  }
0x9b: {  	s22 =	simm.s32 $0x1BFF;
	s21 =	sshll.u32 s6, $0x1;
	s3 =	sadd.s32 s4, s19  }
0x9c: {  	s7 =	simm.s32 $0x0;
	s20 =	sshll.u32 s5, $0x1;
	s5 =	sadd.s32 s21, s3  }
0x9d: {  	[timem:s7], [sflag:s22] =	dma.local [hbm:s5], s20  }
0x9e: {  	_ =	swait.ge [sflag:s22], s20  }
0x9f: {  	s4 =	ssub.s32 $0x0, s20;
	[sflag:s22] =	ssyncset.done $0x0  }
0xa0: {  	[sflag:s22] =	ssyncadd.s32 s4;
	_ =	sdelay $0x1  }
0xa1: {  	s23 =	simm.s32 $0x1B8B  }
0xa2: {  	_ =	swait.ge [sflag:s23], $0x1  }
0xa3: {  	[sflag:s23] =	ssyncset.done $0x0  }
0xa4: {  	s25 =	simm.s32 $0x1B8E;
	s24 =	sld [smem:$0x3FFE];
	[sflag:s23] =	ssyncadd.s32 $0xFFFFFFFF  }
0xa5: {  	s26 =	simm.s32 $execute0_lowered;
	[smem:$0x3FD2] =	sst s25  }
0xa6: {  	s5 =	sshll.u32 s26, $0x1;
	_ =	strace $0x80000049;
	[dreg:$0x1] =	wrdreg $0xFFFFFFFF  }
0xa7: {  	s28 =	simm.s32 $_size_execute0_lowered;
	s3 =	sadd.s32 s3, s5;
	[dreg:$0x0] =	wrdreg $0x0  }
0xa8: {  	s5 =	sshll.u32 s28, $0x1;
	[dreg:$0x2] =	wrdreg s3  }
0xa9: {  	[dreg:$0x3] =	wrdreg s5  }
0xaa: {  	[dreg:$0x4] =	wrdreg $0xC0  }
0xab: {  	_ =	task [dreg:s7], $0x5FFFF  }
0xac: {  	[dreg:$0x1] =	wrdreg $0xFFFFFFFF  }
0xad: {  	[dreg:$0x0] =	wrdreg $0x60  }
0xae: {  	[dreg:$0x2] =	wrdreg s2  }
0xaf: {  	[dreg:$0x3] =	wrdreg s24  }
0xb0: {  	[dreg:$0x4] =	wrdreg $0x90000  }
0xb1: {  	[dreg:$0x5] =	wrdreg $0x9  }
0xb2: {  	_ =	task.clear_ibuf [dreg:s7], $0x6FFFF;
	_ =	strace $0x90000049  }
0xb3: {  	s29 =	simm.s32 $0x9;
	_ =	strace $0x8000004B  }
0xb4: {  	_ =	swait.ge [sflag:s29], $0x1  }
0xb5: {  	[sflag:s29] =	ssyncadd.s32 $0xFFFFFFFF  }
0xb6: {  	_ =	strace $0x9000004B  }
0xb7: {  	_ =	sfence  }
0xb8: {  	s30 =	sld [smem:$0x0];
	_ =	sdelay $0x2  }
0xb9: {  	s31 =	sshll.u32 s1, $0xD;
	s1 =	sshrl.u32 s1, $0x2  }
0xba: {  	s3 =	sand.u32 $0x4000, s31;
	s1 =	sadd.s32 s1, s30  }
0xbb: {  	s0 =	sor.u32 s3, s0;
	s1 =	sshll.u32 s1, $0x11  }
0xbc: {  	s0 =	sor.u32 s1, s0  }
0xbd: {  	s0 =	sadd.s32 $0x8F2B, s0  }
0xbe: {  	[sflag:s0] =	ssyncadd.remote.s32 $0x1  }
0xbf: {  	_ =	sfence.sel $0xFFFF  }
0xc0: {  	[dreg:$0x0] =	wrdreg $0xFFFFFFFF;
	(pc) =	sbr.abs _section_cstart, $3  }
0xc1: {  	[dreg:$0x1] =	wrdreg $0xFFFFFFFF  }
0xc2: {  	_ =	task.clear_ibuf [dreg:s7], $0x2FFFF;
	_ =	strace $0x9FFFFFFF  }
0xc3: {  	(tm) =	ssettm $0x7FFFFFFF  }
tec
execute0_lowered:
.L_overlay_start_1:
0x0: {  	(tag) =	ssettag $0x1  }
0x1: {  	s1 =	rddreg [dreg:$0x0]  }
0x2: {  	s0 =	srdreg.scid;
	s7 =	rddreg [dreg:$0x1]  }
0x3: {  	s3 =	rddreg [dreg:$0x2];
	s4 =	simm.s32 $0x0;
	s14 =	simm.s32 $0x80  }
0x4: {  	s15 =	simm.s32 $0x5000;
	s16 =	simm.s32 $0x1;
	s6 =	sand.u32 $0x1, s0  }
0x5: {  	s17 =	simm.s32 $0x0;
	s0 =	stileid.u32;
	s8 =	smul.u32 $0x140000, s6  }
0x6: {  	[smem:$0x7FF] =	sst s4;
	s2 =	sshll.u32 s6, $0x4;
	s9 =	smul.u32 $0x14000, s0  }
0x7: {  	s28 =	smul.u32 $0x50000, s0;
	s6 =	ssub.s32 $0x2, s6;
	s2 =	sor.u32 s0, s2  }
0x8: {  	s31 =	sshll.u32 s0, $0x6;
	s29 =	sshrl.u32 s6, $0x1;
	s5 =	smul.u32 $0x500, s2  }
0x9: {  	s2 =	rddreg [dreg:$0x3];
	_ =	strace $0x8000004A;
	s8 =	sadd.s32 s9, s8  }
0xa: {  	s30 =	sshrl.u32 s28, $0x2;
	s12 =	ssub.s32 s6, s29;
	s6 =	sor.u32 $0x1C02, s31  }
0xb: {  	s8 =	sshrl.u32 s8, $0x3;
	s13 =	sadd.s32 s30, s3;
	s10 =	sadd.s32 s5, s7  }
0xc: {  	s5 =	sadd.s32 $0xDC00, s7;
	s11 =	sadd.s32 s8, s7;
	s7 =	sadd.s32 $0x60400, s10  }
0xd: {  	s8 =	sadd.s32 $0x3C00, s10;
	s9 =	sadd.s32 $0x6A400, s11;
	s10 =	smax.u32 s12, $0x1  }
0xe: {  	s11 =	sshrl.u32 s13, $0x3;
	s12 =	simm.s32 $0x2;
	s13 =	simm.s32 $0x2800  }
.LBB2_1:
0xf: {  	[spmem:s11], [sflag:s6] =	dma.local [hbm:s5], $0x2800  }
0x10: {  	_ =	swait.ge [sflag:s12], $0x2800  }
0x11: {  	[sflag:s12] =	ssyncset.done $0x0  }
0x12: {  	[sflag:s12] =	ssyncadd.s32 $0xFFFFD800  }
0x13: {  	[bflag:$0x0] =	sbarrier.arrive $0xFFFF  }
0x14: {  	[tilespmem:s4], [sflag:$0x2] =	stream.linear.gather [hbm4b:s7+s4], $0x2780, $0x38;
	[tilespmem:$0x1D000] =	vst v63  }
0x15: {  	_ =	swait.ge [sflag:s12], $0x2780  }
0x16: {  	[sflag:s12] =	ssyncset.done $0x0  }
0x17: {  	[sflag:s12] =	ssyncadd.s32 $0xFFFFD880  }
0x18: {  	[tilespmem:s13], [sflag:$0x2] =	stream.linear.gather [hbm4b:s8+s4], $0x2780, $0x38;
	[tilespmem:$0x1D000] =	vst v63  }
0x19: {  	_ =	swait.ge [sflag:s12], $0x2780  }
0x1a: {  	[sflag:s12] =	ssyncset.done $0x0  }
0x1b: {  	s18 =	simm.s32 $0x0;
	[sflag:s12] =	ssyncadd.s32 $0xFFFFD880  }
0x1c: {  	[tilespmem:s15], [sflag:$0x1] =	stream.indirect.gather [hbm4b:s1+s14], $0x80, s18, s14, $0xb8;
	[tilespmem:$0x1D000] =	vst v63  }
0x1d: {  	_ =	swait.ge [sflag:s16], $0x4000  }
0x1e: {  	[sflag:s16] =	ssyncset.done $0x0  }
0x1f: {  	s31 =	simm.s32 $0x2800;
	[sflag:s16] =	ssyncadd.s32 $0xFFFFC000  }
0x20: {  	[spmem:s3] =	stream.indirect.scatter.add.f32 [tilespmem:s15], [sflag:$0x2], $0x80, s31, s14, $0xb8;
	[tilespmem:$0x1D000] =	vst v63  }
0x21: {  	_ =	swait.ge [sflag:s12], $0x4000  }
0x22: {  	s19 =	simm.s32 $0x400;
	s18 =	simm.s32 $0x200;
	[sflag:s12] =	ssyncset.done $0x0  }
.LBB2_2:
0x23: {  	s20 =	sshra.s32 s18, $0x2  }
0x24: {  	[sflag:s12] =	ssyncadd.s32 $0xFFFFC000;
	s18 =	smov.u32 s19;
	s21 =	sadd.s32 $0x200, s19  }
0x25: {  	[tilespmem:s15], [sflag:$0x1] =	stream.indirect.gather [hbm4b:s1+s14], $0x80, s20, s14, $0xb8;
	[tilespmem:$0x1D000] =	vst v63  }
0x26: {  	p0 =	sne.s32 s19, $0x9C00;
	_ =	swait.ge [sflag:s16], $0x4000  }
.Ltmp0:
0x27: {  	[sflag:s16] =	ssyncset.done $0x0;
	(pc) =	sbr.rel @p0 .LBB2_2-.Ltmp0, $4  }
0x28: {  	s19 =	sadd.s32 $0x2800, s20;
	[sflag:s16] =	ssyncadd.s32 $0xFFFFC000  }
0x29: {  	[spmem:s3] =	stream.indirect.scatter.add.f32 [tilespmem:s15], [sflag:$0x2], $0x80, s19, s14, $0xb8;
	[tilespmem:$0x1D000] =	vst v63  }
0x2a: {  	_ =	swait.ge [sflag:s12], $0x4000  }
0x2b: {  	s19 =	smov.u32 s21;
	[sflag:s12] =	ssyncset.done $0x0  }
0x2c: {  	s18 =	sshra.s32 s18, $0x2;
	[sflag:s12] =	ssyncadd.s32 $0xFFFFC000  }
0x2d: {  	[tilespmem:s15], [sflag:$0x1] =	stream.indirect.gather [hbm4b:s1+s14], $0x80, s18, s14, $0xb8;
	[tilespmem:$0x1D000] =	vst v63  }
0x2e: {  	_ =	swait.ge [sflag:s16], $0x4000  }
0x2f: {  	[sflag:s16] =	ssyncset.done $0x0  }
0x30: {  	s18 =	sadd.s32 $0x2800, s18;
	[sflag:s16] =	ssyncadd.s32 $0xFFFFC000  }
0x31: {  	[spmem:s3] =	stream.indirect.scatter.add.f32 [tilespmem:s15], [sflag:$0x2], $0x80, s18, s14, $0xb8;
	[tilespmem:$0x1D000] =	vst v63  }
0x32: {  	_ =	swait.ge [sflag:s12], $0x4000  }
0x33: {  	s17 =	sadd.s32 $0x1, s17;
	[sflag:s12] =	ssyncset.done $0x0  }
0x34: {  	p0 =	sne.s32 s17, s10;
	[sflag:s12] =	ssyncadd.s32 $0xFFFFC000  }
.Ltmp1:
0x35: {  	[bflag:$0x0] =	sbarrier.arrive $0xFFFF;
	(pc) =	sbr.rel @p0 .LBB2_1-.Ltmp1, $4  }
0x36: {  	[hbm:s9], [sflag:s6] =	dma.local [spmem:s11], $0x2800  }
0x37: {  	_ =	swait.ge [sflag:s12], $0x2800  }
0x38: {  	[sflag:s12] =	ssyncset.done $0x0  }
0x39: {  	[sflag:s12] =	ssyncadd.s32 $0xFFFFD800  }
0x3a: {  	_ =	sfence.sel $0x180000  }
0x3b: {  	[bflag:$0x0] =	sbarrier.arrive $0xFFFF  }
0x3c: {  	p0 =	sne.s32 s0, $0x0;
	_ =	strace $0x9000004A  }
0x3d: {  	s0 =	sadd.s32 @!p0 $0x100000, s2;
	[bflag:$0x2] =	sbarrier.arrive $0xFFFF  }
0x3e: {  	[sflag:s0] =	ssyncadd.tile.s32 @!p0 $0x1;
	_ =	shalt  }
.Lfunc_end2:
_tile_overlayer_lowered:
.L_overlay_start_2:
0x3f: {  	(tag) =	ssettag $0x2  }
0x40: {  	s0 =	rddreg [dreg:$0x0];
	s2 =	stileid.u32  }
0x41: {  	s1 =	rddreg [dreg:$0x1];
	p0 =	sne.s32 s2, $0x0  }
0x42: {  	s3 =	rddreg [dreg:$0x2];
	[bflag:$0x3] =	sbarrier.arrive $0xFFFF;
	s2 =	simm.s32 @!p0 $0x1C02  }
0x43: {  	[timem:s3], [sflag:s2] =	dma.local @!p0 [hbm:s0], s1  }
0x44: {  	s0 =	simm.s32 @!p0 $0x2  }
0x45: {  	_ =	swait.ge @!p0 [sflag:s0], s1  }
0x46: {  	s1 =	ssub.s32 @!p0 $0x0, s1;
	[sflag:s0] =	ssyncset.done @!p0 $0x0  }
0x47: {  	[sflag:s0] =	ssyncadd.s32 @!p0 s1  }
0x48: {  	[bflag:$0x3] =	sbarrier.arrive $0xFFFF  }
0x49: {  	_ =	shalt  }

// kernel: kernel.14.cloned.1.call-start
scs
__scs_entry_jumppad:
0x0: {  	(pc) =	sbr.rel $0x88, $3  }
0x1: {  	(tag) =	ssettag $0x0;
	lr =	simm.s32 $0x1  }
0x2: {  	[smem:$0x3F97] =	sst lr;
	_ =	strace $0xD0000000  }
0x3: {  	_ = 	snop  }
0x4: {  	_ = 	snop  }
0x5: {  	_ = 	snop  }
0x6: {  	_ = 	snop  }
0x7: {  	_ = 	snop  }
__scs_overlays_trampoline_lowered:
0x8: {  	[smem:$0x3FA6] =	sst s0  }
0x9: {  	[smem:$0x3FA7] =	sst s1  }
0xa: {  	[smem:$0x3FA8] =	sst s2  }
0xb: {  	[smem:$0x3FA9] =	sst s3  }
0xc: {  	[smem:$0x3FAA] =	sst s4  }
0xd: {  	[smem:$0x3FAB] =	sst s5  }
0xe: {  	[smem:$0x3FAC] =	sst s6  }
0xf: {  	[smem:$0x3FAD] =	sst s7  }
0x10: {  	[smem:$0x3FAE] =	sst s8  }
0x11: {  	[smem:$0x3FAF] =	sst s9;
	s0 =	simm.s32 @!p0 $0x0  }
0x12: {  	s1 =	sld [smem:$0x3F95];
	s0 =	simm.s32 @p0 $0x1  }
0x13: {  	[smem:$0x3FB0] =	sst s0;
	s0 =	simm.s32 @!p1 $0x0  }
0x14: {  	s2 =	sld [smem:$0x3F94];
	s0 =	simm.s32 @p1 $0x1  }
0x15: {  	[smem:$0x3FB1] =	sst s0;
	s0 =	simm.s32 @!p2 $0x0  }
0x16: {  	s3 =	sld [smem:$0x3FDB];
	s0 =	simm.s32 @p2 $0x1  }
0x17: {  	s4 =	simm.s32 $0x1BF5;
	[smem:$0x3FB3] =	sst s0  }
0x18: {  	s0 =	sld [smem:$0x3F96];
	_ =	swait.ge [sflag:s4], $0x0  }
0x19: {  	s7 =	sld [smem:$0x3F97]  }
0x1a: {  	s8 =	sadd.s32 $0xFFFFE003, lr  }
0x1b: {  	s9 =	sadd.s32 $0xFFFFFEF7, lr;
	s5 =	simm.s32 $0xFFFFFFFF;
	p2 =	slt.u32 s8, $0xFFFFF086  }
0x1c: {  	p1 =	slt.u32 s9, $0xF7A;
	s5 =	simm.s32 @!p2 $0x0  }
0x1d: {  	s5 =	simm.s32 @p1 $0x1;
	p0 =	seq.s32 s7, s2  }
0x1e: {  	s7 =	smul.u32 @!p0 $0xF7A, s2;
	p2 =	seq.s32 @!p0 s5, $0x0  }
0x1f: {  	s9 =	smul.u32 $0xF7A, s1;
	s8 =	simm.s32 @!p0 $0x1BF5;
	p2 =	por !p2, p0  }
0x20: {  	[sflag:s8] =	ssyncset.s32 @!p0 $0xFFFFF086;
	s6 =	sadd.s32 @!p0 s3, s7;
	s7 =	simm.s32 @!p0 $0x108  }
0x21: {  	s3 =	sadd.s32 s3, s9;
	s6 =	sadd.s32 @!p0 $0x88, s6;
	s7 =	simm.s32 @p2 $0x1082  }
0x22: {  	[simem:s7], [sflag:s8] =	dma.local @!p0 [hbm:s6], $0xF7A  }
0x23: {  	s9 =	sor.u32 $0xD0000000, s2;
	s6 =	simm.s32 $0x108;
	_ =	swait.ge @!p0 [sflag:s8], $0x0  }
0x24: {  	s3 =	sadd.s32 $0x88, s3;
	s6 =	simm.s32 @!p1 $0x1082;
	[sflag:s4] =	ssyncset.s32 $0xFFFFF086  }
0x25: {  	[simem:s6], [sflag:s4] =	dma.local [hbm:s3], $0xF7A  }
0x26: {  	[smem:$0x3F97] =	sst s1;
	(tag) =	ssettag s2;
	_ =	strace s9  }
0x27: {  	s1 =	sld [smem:$0x3FA7]  }
0x28: {  	s2 =	sld [smem:$0x3FA8]  }
0x29: {  	s4 =	sld [smem:$0x3FAA]  }
0x2a: {  	p0 =	seq.s32 s5, $0x0;
	s5 =	sld [smem:$0x3FAB]  }
0x2b: {  	s6 =	sld [smem:$0x3FAC]  }
0x2c: {  	s7 =	sld [smem:$0x3FAD]  }
0x2d: {  	s3 =	simm.s32 $0x108;
	s8 =	sld [smem:$0x3FAE]  }
0x2e: {  	s3 =	simm.s32 @!p0 $0x1082;
	s9 =	sld [smem:$0x3FAF]  }
0x2f: {  	lr =	sadd.s32 s0, s3;
	s0 =	sld [smem:$0x3FA6]  }
0x30: {  	s3 =	sld [smem:$0x3FA9]  }
0x31: {  	[smem:$0x3FB2] =	sst s10  }
0x32: {  	s10 =	sld [smem:$0x3FB0];
	_ =	sdelay $0x3  }
0x33: {  	p0 =	seq.s32 s10, $0x1;
	s10 =	sld [smem:$0x3FB2];
	_ =	sdelay $0x3  }
0x34: {  	[smem:$0x3FB2] =	sst s10  }
0x35: {  	s10 =	sld [smem:$0x3FB1];
	_ =	sdelay $0x3  }
0x36: {  	p1 =	seq.s32 s10, $0x1;
	s10 =	sld [smem:$0x3FB2];
	_ =	sdelay $0x3  }
0x37: {  	[smem:$0x3FB2] =	sst s10  }
0x38: {  	s10 =	sld [smem:$0x3FB3]  }
0x39: {  	_ = 	snop;
	(pc) =	sbr.ind lr, $3  }
0x3a: {  	_ = 	snop  }
0x3b: {  	_ = 	snop  }
0x3c: {  	p2 =	seq.s32 s10, $0x1;
	s10 =	sld [smem:$0x3FB2]  }
0x3d: {  	_ =	shalt  }
0x3e: {  	_ =	shalt  }
0x3f: {  	_ =	shalt  }
0x40: {  	_ =	shalt  }
0x41: {  	_ =	shalt  }
0x42: {  	_ =	shalt  }
0x43: {  	_ =	shalt  }
0x44: {  	_ =	shalt  }
0x45: {  	_ =	shalt  }
0x46: {  	_ =	shalt  }
0x47: {  	_ =	shalt  }
0x48: {  	_ =	shalt  }
0x49: {  	_ =	shalt  }
0x4a: {  	_ =	shalt  }
0x4b: {  	_ =	shalt  }
0x4c: {  	_ =	shalt  }
0x4d: {  	_ =	shalt  }
0x4e: {  	_ =	shalt  }
0x4f: {  	_ =	shalt  }
0x50: {  	_ =	shalt  }
0x51: {  	_ =	shalt  }
0x52: {  	_ =	shalt  }
0x53: {  	_ =	shalt  }
0x54: {  	_ =	shalt  }
0x55: {  	_ =	shalt  }
0x56: {  	_ =	shalt  }
0x57: {  	_ =	shalt  }
0x58: {  	_ =	shalt  }
0x59: {  	_ =	shalt  }
0x5a: {  	_ =	shalt  }
0x5b: {  	_ =	shalt  }
0x5c: {  	_ =	shalt  }
0x5d: {  	_ =	shalt  }
0x5e: {  	_ =	shalt  }
0x5f: {  	_ =	shalt  }
0x60: {  	_ =	shalt  }
0x61: {  	_ =	shalt  }
0x62: {  	_ =	shalt  }
0x63: {  	_ =	shalt  }
0x64: {  	_ =	shalt  }
0x65: {  	_ =	shalt  }
0x66: {  	_ =	shalt  }
0x67: {  	_ =	shalt  }
0x68: {  	_ =	shalt  }
0x69: {  	_ =	shalt  }
0x6a: {  	_ =	shalt  }
0x6b: {  	_ =	shalt  }
0x6c: {  	_ =	shalt  }
0x6d: {  	_ =	shalt  }
0x6e: {  	_ =	shalt  }
0x6f: {  	_ =	shalt  }
0x70: {  	_ =	shalt  }
0x71: {  	_ =	shalt  }
0x72: {  	_ =	shalt  }
0x73: {  	_ =	shalt  }
0x74: {  	_ =	shalt  }
0x75: {  	_ =	shalt  }
0x76: {  	_ =	shalt  }
0x77: {  	_ =	shalt  }
0x78: {  	_ =	shalt  }
0x79: {  	_ =	shalt  }
0x7a: {  	_ =	shalt  }
0x7b: {  	_ =	shalt  }
0x7c: {  	_ =	shalt  }
0x7d: {  	_ =	shalt  }
0x7e: {  	_ =	shalt  }
0x7f: {  	_ =	shalt  }
0x80: {  	_ =	shalt  }
0x81: {  	_ =	shalt  }
0x82: {  	_ =	shalt  }
0x83: {  	_ =	shalt  }
0x84: {  	_ =	shalt  }
0x85: {  	_ =	shalt  }
0x86: {  	_ =	shalt  }
0x87: {  	_ =	shalt  }
.Lfunc_end0:
.L_simem_size_0:
called_computation.2_lowered:
.L_overlay_start_0:
0x88: {  	s2 =	sld [smem:$0x3FD9]  }
0x89: {  	s3 =	sld [smem:$0x3FFE];
	_ =	sdelay $0x1  }
0x8a: {  	s1 =	srdreg.scid  }
0x8b: {  	s0 =	sand.u32 $0x1, s1  }
0x8c: {  	s17 =	sshll.u32 s0, $0xA;
	s2 =	sadd.s32 s3, s2  }
0x8d: {  	s2 =	sadd.s32 s2, s17  }
0x8e: {  	[smem:$0x3FBE] =	sst s2  }
0x8f: {  	_ = 	snop  }
0x90: {  	s2 =	sld [smem:$0x3FD0];
	(tm) =	ssettm $0x1  }
0x91: {  	s18 =	sld [smem:$0x3FFB];
	_ =	sdelay $0x3  }
0x92: {  	_ =	strace s18  }
0x93: {  	s3 =	sld [smem:$0x3FFC];
	_ =	sdelay $0x3  }
0x94: {  	_ =	strace s3  }
0x95: {  	s3 =	sld [smem:$0x3FFD];
	_ =	sdelay $0x3  }
0x96: {  	_ =	strace s3  }
0x97: {  	_ =	strace $0x8FFFFFFF  }
0x98: {  	s19 =	sld [smem:$0x3FDB];
	_ =	sdelay $0x1  }
0x99: {  	s4 =	simm.s32 $_scs_section_size  }
0x9a: {  	s5 =	simm.s32 $_size__tile_overlayer_lowered;
	s6 =	simm.s32 $_tile_overlayer_lowered  }
0x9b: {  	s22 =	simm.s32 $0x1BFF;
	s21 =	sshll.u32 s6, $0x1;
	s3 =	sadd.s32 s4, s19  }
0x9c: {  	s7 =	simm.s32 $0x0;
	s20 =	sshll.u32 s5, $0x1;
	s5 =	sadd.s32 s21, s3  }
0x9d: {  	[timem:s7], [sflag:s22] =	dma.local [hbm:s5], s20  }
0x9e: {  	_ =	swait.ge [sflag:s22], s20  }
0x9f: {  	s4 =	ssub.s32 $0x0, s20;
	[sflag:s22] =	ssyncset.done $0x0  }
0xa0: {  	[sflag:s22] =	ssyncadd.s32 s4;
	_ =	sdelay $0x1  }
0xa1: {  	s23 =	simm.s32 $0x1B8B  }
0xa2: {  	_ =	swait.ge [sflag:s23], $0x1  }
0xa3: {  	[sflag:s23] =	ssyncset.done $0x0  }
0xa4: {  	s25 =	simm.s32 $0x1B8E;
	s24 =	sld [smem:$0x3FFE];
	[sflag:s23] =	ssyncadd.s32 $0xFFFFFFFF  }
0xa5: {  	s26 =	simm.s32 $execute0_lowered;
	[smem:$0x3FD2] =	sst s25  }
0xa6: {  	s5 =	sshll.u32 s26, $0x1;
	_ =	strace $0x8000004C;
	[dreg:$0x1] =	wrdreg $0xFFFFFFFF  }
0xa7: {  	s28 =	simm.s32 $_size_execute0_lowered;
	s3 =	sadd.s32 s3, s5;
	[dreg:$0x0] =	wrdreg $0x0  }
0xa8: {  	s5 =	sshll.u32 s28, $0x1;
	[dreg:$0x2] =	wrdreg s3  }
0xa9: {  	[dreg:$0x3] =	wrdreg s5  }
0xaa: {  	[dreg:$0x4] =	wrdreg $0xC0  }
0xab: {  	_ =	task [dreg:s7], $0x5FFFF  }
0xac: {  	[dreg:$0x1] =	wrdreg $0xFFFFFFFF  }
0xad: {  	[dreg:$0x0] =	wrdreg $0x60  }
0xae: {  	[dreg:$0x2] =	wrdreg s2  }
0xaf: {  	[dreg:$0x3] =	wrdreg s24  }
0xb0: {  	[dreg:$0x4] =	wrdreg $0x90000  }
0xb1: {  	[dreg:$0x5] =	wrdreg $0x9  }
0xb2: {  	_ =	task.clear_ibuf [dreg:s7], $0x6FFFF;
	_ =	strace $0x9000004C  }
0xb3: {  	s29 =	simm.s32 $0x9;
	_ =	strace $0x8000004E  }
0xb4: {  	_ =	swait.ge [sflag:s29], $0x1  }
0xb5: {  	[sflag:s29] =	ssyncadd.s32 $0xFFFFFFFF  }
0xb6: {  	_ =	strace $0x9000004E  }
0xb7: {  	_ =	sfence  }
0xb8: {  	s30 =	sld [smem:$0x0];
	_ =	sdelay $0x2  }
0xb9: {  	s31 =	sshll.u32 s1, $0xD;
	s1 =	sshrl.u32 s1, $0x2  }
0xba: {  	s3 =	sand.u32 $0x4000, s31;
	s1 =	sadd.s32 s1, s30  }
0xbb: {  	s0 =	sor.u32 s3, s0;
	s1 =	sshll.u32 s1, $0x11  }
0xbc: {  	s0 =	sor.u32 s1, s0  }
0xbd: {  	s0 =	sadd.s32 $0x8F2B, s0  }
0xbe: {  	[sflag:s0] =	ssyncadd.remote.s32 $0x1  }
0xbf: {  	_ =	sfence.sel $0xFFFF  }
0xc0: {  	[dreg:$0x0] =	wrdreg $0xFFFFFFFF;
	(pc) =	sbr.abs _section_cstart, $3  }
0xc1: {  	[dreg:$0x1] =	wrdreg $0xFFFFFFFF  }
0xc2: {  	_ =	task.clear_ibuf [dreg:s7], $0x2FFFF;
	_ =	strace $0x9FFFFFFF  }
0xc3: {  	(tm) =	ssettm $0x7FFFFFFF  }
tec
execute0_lowered:
.L_overlay_start_1:
0x0: {  	(tag) =	ssettag $0x1  }
0x1: {  	s1 =	rddreg [dreg:$0x0]  }
0x2: {  	s0 =	srdreg.scid;
	s7 =	rddreg [dreg:$0x1]  }
0x3: {  	s3 =	rddreg [dreg:$0x2];
	s4 =	simm.s32 $0x0;
	s14 =	simm.s32 $0x80  }
0x4: {  	s15 =	simm.s32 $0x5000;
	s16 =	simm.s32 $0x1;
	s6 =	sand.u32 $0x1, s0  }
0x5: {  	s17 =	simm.s32 $0x0;
	s0 =	stileid.u32;
	s8 =	smul.u32 $0x140000, s6  }
0x6: {  	[smem:$0x7FF] =	sst s4;
	s2 =	sshll.u32 s6, $0x4;
	s9 =	smul.u32 $0x14000, s0  }
0x7: {  	s28 =	smul.u32 $0x50000, s0;
	s6 =	ssub.s32 $0x2, s6;
	s2 =	sor.u32 s0, s2  }
0x8: {  	s31 =	sshll.u32 s0, $0x6;
	s29 =	sshrl.u32 s6, $0x1;
	s5 =	smul.u32 $0x500, s2  }
0x9: {  	s2 =	rddreg [dreg:$0x3];
	_ =	strace $0x8000004D;
	s8 =	sadd.s32 s9, s8  }
0xa: {  	s30 =	sshrl.u32 s28, $0x2;
	s12 =	ssub.s32 s6, s29;
	s6 =	sor.u32 $0x1C02, s31  }
0xb: {  	s8 =	sshrl.u32 s8, $0x3;
	s13 =	sadd.s32 s30, s3;
	s10 =	sadd.s32 s5, s7  }
0xc: {  	s5 =	sadd.s32 $0xDC00, s7;
	s11 =	sadd.s32 s8, s7;
	s7 =	sadd.s32 $0x60400, s10  }
0xd: {  	s8 =	sadd.s32 $0x3C00, s10;
	s9 =	sadd.s32 $0x6A400, s11;
	s10 =	smax.u32 s12, $0x1  }
0xe: {  	s11 =	sshrl.u32 s13, $0x3;
	s12 =	simm.s32 $0x2;
	s13 =	simm.s32 $0x2800  }
.LBB2_1:
0xf: {  	[spmem:s11], [sflag:s6] =	dma.local [hbm:s5], $0x2800  }
0x10: {  	_ =	swait.ge [sflag:s12], $0x2800  }
0x11: {  	[sflag:s12] =	ssyncset.done $0x0  }
0x12: {  	[sflag:s12] =	ssyncadd.s32 $0xFFFFD800  }
0x13: {  	[bflag:$0x0] =	sbarrier.arrive $0xFFFF  }
0x14: {  	[tilespmem:s4], [sflag:$0x2] =	stream.linear.gather [hbm4b:s7+s4], $0x2780, $0x38;
	[tilespmem:$0x1D000] =	vst v63  }
0x15: {  	_ =	swait.ge [sflag:s12], $0x2780  }
0x16: {  	[sflag:s12] =	ssyncset.done $0x0  }
0x17: {  	[sflag:s12] =	ssyncadd.s32 $0xFFFFD880  }
0x18: {  	[tilespmem:s13], [sflag:$0x2] =	stream.linear.gather [hbm4b:s8+s4], $0x2780, $0x38;
	[tilespmem:$0x1D000] =	vst v63  }
0x19: {  	_ =	swait.ge [sflag:s12], $0x2780  }
0x1a: {  	[sflag:s12] =	ssyncset.done $0x0  }
0x1b: {  	s18 =	simm.s32 $0x0;
	[sflag:s12] =	ssyncadd.s32 $0xFFFFD880  }
0x1c: {  	[tilespmem:s15], [sflag:$0x1] =	stream.indirect.gather [hbm4b:s1+s14], $0x80, s18, s14, $0xb8;
	[tilespmem:$0x1D000] =	vst v63  }
0x1d: {  	_ =	swait.ge [sflag:s16], $0x4000  }
0x1e: {  	[sflag:s16] =	ssyncset.done $0x0  }
0x1f: {  	s31 =	simm.s32 $0x2800;
	[sflag:s16] =	ssyncadd.s32 $0xFFFFC000  }
0x20: {  	[spmem:s3] =	stream.indirect.scatter.add.f32 [tilespmem:s15], [sflag:$0x2], $0x80, s31, s14, $0xb8;
	[tilespmem:$0x1D000] =	vst v63  }
0x21: {  	_ =	swait.ge [sflag:s12], $0x4000  }
0x22: {  	s19 =	simm.s32 $0x400;
	s18 =	simm.s32 $0x200;
	[sflag:s12] =	ssyncset.done $0x0  }
.LBB2_2:
0x23: {  	s20 =	sshra.s32 s18, $0x2  }
0x24: {  	[sflag:s12] =	ssyncadd.s32 $0xFFFFC000;
	s18 =	smov.u32 s19;
	s21 =	sadd.s32 $0x200, s19  }
0x25: {  	[tilespmem:s15], [sflag:$0x1] =	stream.indirect.gather [hbm4b:s1+s14], $0x80, s20, s14, $0xb8;
	[tilespmem:$0x1D000] =	vst v63  }
0x26: {  	p0 =	sne.s32 s19, $0x9C00;
	_ =	swait.ge [sflag:s16], $0x4000  }
.Ltmp0:
0x27: {  	[sflag:s16] =	ssyncset.done $0x0;
	(pc) =	sbr.rel @p0 .LBB2_2-.Ltmp0, $4  }
0x28: {  	s19 =	sadd.s32 $0x2800, s20;
	[sflag:s16] =	ssyncadd.s32 $0xFFFFC000  }
0x29: {  	[spmem:s3] =	stream.indirect.scatter.add.f32 [tilespmem:s15], [sflag:$0x2], $0x80, s19, s14, $0xb8;
	[tilespmem:$0x1D000] =	vst v63  }
0x2a: {  	_ =	swait.ge [sflag:s12], $0x4000  }
0x2b: {  	s19 =	smov.u32 s21;
	[sflag:s12] =	ssyncset.done $0x0  }
0x2c: {  	s18 =	sshra.s32 s18, $0x2;
	[sflag:s12] =	ssyncadd.s32 $0xFFFFC000  }
0x2d: {  	[tilespmem:s15], [sflag:$0x1] =	stream.indirect.gather [hbm4b:s1+s14], $0x80, s18, s14, $0xb8;
	[tilespmem:$0x1D000] =	vst v63  }
0x2e: {  	_ =	swait.ge [sflag:s16], $0x4000  }
0x2f: {  	[sflag:s16] =	ssyncset.done $0x0  }
0x30: {  	s18 =	sadd.s32 $0x2800, s18;
	[sflag:s16] =	ssyncadd.s32 $0xFFFFC000  }
0x31: {  	[spmem:s3] =	stream.indirect.scatter.add.f32 [tilespmem:s15], [sflag:$0x2], $0x80, s18, s14, $0xb8;
	[tilespmem:$0x1D000] =	vst v63  }
0x32: {  	_ =	swait.ge [sflag:s12], $0x4000  }
0x33: {  	s17 =	sadd.s32 $0x1, s17;
	[sflag:s12] =	ssyncset.done $0x0  }
0x34: {  	p0 =	sne.s32 s17, s10;
	[sflag:s12] =	ssyncadd.s32 $0xFFFFC000  }
.Ltmp1:
0x35: {  	[bflag:$0x0] =	sbarrier.arrive $0xFFFF;
	(pc) =	sbr.rel @p0 .LBB2_1-.Ltmp1, $4  }
0x36: {  	[hbm:s9], [sflag:s6] =	dma.local [spmem:s11], $0x2800  }
0x37: {  	_ =	swait.ge [sflag:s12], $0x2800  }
0x38: {  	[sflag:s12] =	ssyncset.done $0x0  }
0x39: {  	[sflag:s12] =	ssyncadd.s32 $0xFFFFD800  }
0x3a: {  	_ =	sfence.sel $0x180000  }
0x3b: {  	[bflag:$0x0] =	sbarrier.arrive $0xFFFF  }
0x3c: {  	p0 =	sne.s32 s0, $0x0;
	_ =	strace $0x9000004D  }
0x3d: {  	s0 =	sadd.s32 @!p0 $0x100000, s2;
	[bflag:$0x2] =	sbarrier.arrive $0xFFFF  }
0x3e: {  	[sflag:s0] =	ssyncadd.tile.s32 @!p0 $0x1;
	_ =	shalt  }
.Lfunc_end2:
_tile_overlayer_lowered:
.L_overlay_start_2:
0x3f: {  	(tag) =	ssettag $0x2  }
0x40: {  	s0 =	rddreg [dreg:$0x0];
	s2 =	stileid.u32  }
0x41: {  	s1 =	rddreg [dreg:$0x1];
	p0 =	sne.s32 s2, $0x0  }
0x42: {  	s3 =	rddreg [dreg:$0x2];
	[bflag:$0x3] =	sbarrier.arrive $0xFFFF;
	s2 =	simm.s32 @!p0 $0x1C02  }
0x43: {  	[timem:s3], [sflag:s2] =	dma.local @!p0 [hbm:s0], s1  }
0x44: {  	s0 =	simm.s32 @!p0 $0x2  }
0x45: {  	_ =	swait.ge @!p0 [sflag:s0], s1  }
0x46: {  	s1 =	ssub.s32 @!p0 $0x0, s1;
	[sflag:s0] =	ssyncset.done @!p0 $0x0  }
0x47: {  	[sflag:s0] =	ssyncadd.s32 @!p0 s1  }
0x48: {  	[bflag:$0x3] =	sbarrier.arrive $0xFFFF  }
0x49: {  	_ =	shalt  }

// kernel: kernel.8.cloned.1.call-start
scs
__scs_entry_jumppad:
0x0: {  	(pc) =	sbr.rel $0x88, $3  }
0x1: {  	(tag) =	ssettag $0x0;
	lr =	simm.s32 $0x1  }
0x2: {  	[smem:$0x3F97] =	sst lr;
	_ =	strace $0xD0000000  }
0x3: {  	_ = 	snop  }
0x4: {  	_ = 	snop  }
0x5: {  	_ = 	snop  }
0x6: {  	_ = 	snop  }
0x7: {  	_ = 	snop  }
__scs_overlays_trampoline_lowered:
0x8: {  	[smem:$0x3FA6] =	sst s0  }
0x9: {  	[smem:$0x3FA7] =	sst s1  }
0xa: {  	[smem:$0x3FA8] =	sst s2  }
0xb: {  	[smem:$0x3FA9] =	sst s3  }
0xc: {  	[smem:$0x3FAA] =	sst s4  }
0xd: {  	[smem:$0x3FAB] =	sst s5  }
0xe: {  	[smem:$0x3FAC] =	sst s6  }
0xf: {  	[smem:$0x3FAD] =	sst s7  }
0x10: {  	[smem:$0x3FAE] =	sst s8  }
0x11: {  	[smem:$0x3FAF] =	sst s9;
	s0 =	simm.s32 @!p0 $0x0  }
0x12: {  	s1 =	sld [smem:$0x3F95];
	s0 =	simm.s32 @p0 $0x1  }
0x13: {  	[smem:$0x3FB0] =	sst s0;
	s0 =	simm.s32 @!p1 $0x0  }
0x14: {  	s2 =	sld [smem:$0x3F94];
	s0 =	simm.s32 @p1 $0x1  }
0x15: {  	[smem:$0x3FB1] =	sst s0;
	s0 =	simm.s32 @!p2 $0x0  }
0x16: {  	s3 =	sld [smem:$0x3FDB];
	s0 =	simm.s32 @p2 $0x1  }
0x17: {  	s4 =	simm.s32 $0x1BF5;
	[smem:$0x3FB3] =	sst s0  }
0x18: {  	s0 =	sld [smem:$0x3F96];
	_ =	swait.ge [sflag:s4], $0x0  }
0x19: {  	s7 =	sld [smem:$0x3F97]  }
0x1a: {  	s8 =	sadd.s32 $0xFFFFE003, lr  }
0x1b: {  	s9 =	sadd.s32 $0xFFFFFEF7, lr;
	s5 =	simm.s32 $0xFFFFFFFF;
	p2 =	slt.u32 s8, $0xFFFFF086  }
0x1c: {  	p1 =	slt.u32 s9, $0xF7A;
	s5 =	simm.s32 @!p2 $0x0  }
0x1d: {  	s5 =	simm.s32 @p1 $0x1;
	p0 =	seq.s32 s7, s2  }
0x1e: {  	s7 =	smul.u32 @!p0 $0xF7A, s2;
	p2 =	seq.s32 @!p0 s5, $0x0  }
0x1f: {  	s9 =	smul.u32 $0xF7A, s1;
	s8 =	simm.s32 @!p0 $0x1BF5;
	p2 =	por !p2, p0  }
0x20: {  	[sflag:s8] =	ssyncset.s32 @!p0 $0xFFFFF086;
	s6 =	sadd.s32 @!p0 s3, s7;
	s7 =	simm.s32 @!p0 $0x108  }
0x21: {  	s3 =	sadd.s32 s3, s9;
	s6 =	sadd.s32 @!p0 $0x88, s6;
	s7 =	simm.s32 @p2 $0x1082  }
0x22: {  	[simem:s7], [sflag:s8] =	dma.local @!p0 [hbm:s6], $0xF7A  }
0x23: {  	s9 =	sor.u32 $0xD0000000, s2;
	s6 =	simm.s32 $0x108;
	_ =	swait.ge @!p0 [sflag:s8], $0x0  }
0x24: {  	s3 =	sadd.s32 $0x88, s3;
	s6 =	simm.s32 @!p1 $0x1082;
	[sflag:s4] =	ssyncset.s32 $0xFFFFF086  }
0x25: {  	[simem:s6], [sflag:s4] =	dma.local [hbm:s3], $0xF7A  }
0x26: {  	[smem:$0x3F97] =	sst s1;
	(tag) =	ssettag s2;
	_ =	strace s9  }
0x27: {  	s1 =	sld [smem:$0x3FA7]  }
0x28: {  	s2 =	sld [smem:$0x3FA8]  }
0x29: {  	s4 =	sld [smem:$0x3FAA]  }
0x2a: {  	p0 =	seq.s32 s5, $0x0;
	s5 =	sld [smem:$0x3FAB]  }
0x2b: {  	s6 =	sld [smem:$0x3FAC]  }
0x2c: {  	s7 =	sld [smem:$0x3FAD]  }
0x2d: {  	s3 =	simm.s32 $0x108;
	s8 =	sld [smem:$0x3FAE]  }
0x2e: {  	s3 =	simm.s32 @!p0 $0x1082;
	s9 =	sld [smem:$0x3FAF]  }
0x2f: {  	lr =	sadd.s32 s0, s3;
	s0 =	sld [smem:$0x3FA6]  }
0x30: {  	s3 =	sld [smem:$0x3FA9]  }
0x31: {  	[smem:$0x3FB2] =	sst s10  }
0x32: {  	s10 =	sld [smem:$0x3FB0];
	_ =	sdelay $0x3  }
0x33: {  	p0 =	seq.s32 s10, $0x1;
	s10 =	sld [smem:$0x3FB2];
	_ =	sdelay $0x3  }
0x34: {  	[smem:$0x3FB2] =	sst s10  }
0x35: {  	s10 =	sld [smem:$0x3FB1];
	_ =	sdelay $0x3  }
0x36: {  	p1 =	seq.s32 s10, $0x1;
	s10 =	sld [smem:$0x3FB2];
	_ =	sdelay $0x3  }
0x37: {  	[smem:$0x3FB2] =	sst s10  }
0x38: {  	s10 =	sld [smem:$0x3FB3]  }
0x39: {  	_ = 	snop;
	(pc) =	sbr.ind lr, $3  }
0x3a: {  	_ = 	snop  }
0x3b: {  	_ = 	snop  }
0x3c: {  	p2 =	seq.s32 s10, $0x1;
	s10 =	sld [smem:$0x3FB2]  }
0x3d: {  	_ =	shalt  }
0x3e: {  	_ =	shalt  }
0x3f: {  	_ =	shalt  }
0x40: {  	_ =	shalt  }
0x41: {  	_ =	shalt  }
0x42: {  	_ =	shalt  }
0x43: {  	_ =	shalt  }
0x44: {  	_ =	shalt  }
0x45: {  	_ =	shalt  }
0x46: {  	_ =	shalt  }
0x47: {  	_ =	shalt  }
0x48: {  	_ =	shalt  }
0x49: {  	_ =	shalt  }
0x4a: {  	_ =	shalt  }
0x4b: {  	_ =	shalt  }
0x4c: {  	_ =	shalt  }
0x4d: {  	_ =	shalt  }
0x4e: {  	_ =	shalt  }
0x4f: {  	_ =	shalt  }
0x50: {  	_ =	shalt  }
0x51: {  	_ =	shalt  }
0x52: {  	_ =	shalt  }
0x53: {  	_ =	shalt  }
0x54: {  	_ =	shalt  }
0x55: {  	_ =	shalt  }
0x56: {  	_ =	shalt  }
0x57: {  	_ =	shalt  }
0x58: {  	_ =	shalt  }
0x59: {  	_ =	shalt  }
0x5a: {  	_ =	shalt  }
0x5b: {  	_ =	shalt  }
0x5c: {  	_ =	shalt  }
0x5d: {  	_ =	shalt  }
0x5e: {  	_ =	shalt  }
0x5f: {  	_ =	shalt  }
0x60: {  	_ =	shalt  }
0x61: {  	_ =	shalt  }
0x62: {  	_ =	shalt  }
0x63: {  	_ =	shalt  }
0x64: {  	_ =	shalt  }
0x65: {  	_ =	shalt  }
0x66: {  	_ =	shalt  }
0x67: {  	_ =	shalt  }
0x68: {  	_ =	shalt  }
0x69: {  	_ =	shalt  }
0x6a: {  	_ =	shalt  }
0x6b: {  	_ =	shalt  }
0x6c: {  	_ =	shalt  }
0x6d: {  	_ =	shalt  }
0x6e: {  	_ =	shalt  }
0x6f: {  	_ =	shalt  }
0x70: {  	_ =	shalt  }
0x71: {  	_ =	shalt  }
0x72: {  	_ =	shalt  }
0x73: {  	_ =	shalt  }
0x74: {  	_ =	shalt  }
0x75: {  	_ =	shalt  }
0x76: {  	_ =	shalt  }
0x77: {  	_ =	shalt  }
0x78: {  	_ =	shalt  }
0x79: {  	_ =	shalt  }
0x7a: {  	_ =	shalt  }
0x7b: {  	_ =	shalt  }
0x7c: {  	_ =	shalt  }
0x7d: {  	_ =	shalt  }
0x7e: {  	_ =	shalt  }
0x7f: {  	_ =	shalt  }
0x80: {  	_ =	shalt  }
0x81: {  	_ =	shalt  }
0x82: {  	_ =	shalt  }
0x83: {  	_ =	shalt  }
0x84: {  	_ =	shalt  }
0x85: {  	_ =	shalt  }
0x86: {  	_ =	shalt  }
0x87: {  	_ =	shalt  }
.Lfunc_end0:
.L_simem_size_0:
called_computation_lowered:
.L_overlay_start_0:
0x88: {  	s2 =	sld [smem:$0x3FD9]  }
0x89: {  	s3 =	sld [smem:$0x3FFE];
	_ =	sdelay $0x1  }
0x8a: {  	s1 =	srdreg.scid  }
0x8b: {  	s0 =	sand.u32 $0x1, s1  }
0x8c: {  	s17 =	sshll.u32 s0, $0xA;
	s2 =	sadd.s32 s3, s2  }
0x8d: {  	s2 =	sadd.s32 s2, s17  }
0x8e: {  	[smem:$0x3FBE] =	sst s2  }
0x8f: {  	_ = 	snop  }
0x90: {  	s2 =	sld [smem:$0x3FD0];
	(tm) =	ssettm $0x1  }
0x91: {  	s18 =	sld [smem:$0x3FFB];
	_ =	sdelay $0x3  }
0x92: {  	_ =	strace s18  }
0x93: {  	s3 =	sld [smem:$0x3FFC];
	_ =	sdelay $0x3  }
0x94: {  	_ =	strace s3  }
0x95: {  	s3 =	sld [smem:$0x3FFD];
	_ =	sdelay $0x3  }
0x96: {  	_ =	strace s3  }
0x97: {  	_ =	strace $0x8FFFFFFF  }
0x98: {  	s19 =	sld [smem:$0x3FDB];
	_ =	sdelay $0x1  }
0x99: {  	s4 =	simm.s32 $_scs_section_size  }
0x9a: {  	s5 =	simm.s32 $_size__tile_overlayer_lowered;
	s6 =	simm.s32 $_tile_overlayer_lowered  }
0x9b: {  	s22 =	simm.s32 $0x1BFF;
	s21 =	sshll.u32 s6, $0x1;
	s3 =	sadd.s32 s4, s19  }
0x9c: {  	s7 =	simm.s32 $0x0;
	s20 =	sshll.u32 s5, $0x1;
	s5 =	sadd.s32 s21, s3  }
0x9d: {  	[timem:s7], [sflag:s22] =	dma.local [hbm:s5], s20  }
0x9e: {  	_ =	swait.ge [sflag:s22], s20  }
0x9f: {  	s4 =	ssub.s32 $0x0, s20;
	[sflag:s22] =	ssyncset.done $0x0  }
0xa0: {  	[sflag:s22] =	ssyncadd.s32 s4;
	_ =	sdelay $0x1  }
0xa1: {  	s23 =	simm.s32 $0x1B8B  }
0xa2: {  	_ =	swait.ge [sflag:s23], $0x1  }
0xa3: {  	[sflag:s23] =	ssyncset.done $0x0  }
0xa4: {  	s25 =	simm.s32 $0x1B8E;
	s24 =	sld [smem:$0x3FFE];
	[sflag:s23] =	ssyncadd.s32 $0xFFFFFFFF  }
0xa5: {  	s26 =	simm.s32 $execute0_lowered;
	[smem:$0x3FD2] =	sst s25  }
0xa6: {  	s5 =	sshll.u32 s26, $0x1;
	_ =	strace $0x80000046;
	[dreg:$0x1] =	wrdreg $0xFFFFFFFF  }
0xa7: {  	s28 =	simm.s32 $_size_execute0_lowered;
	s3 =	sadd.s32 s3, s5;
	[dreg:$0x0] =	wrdreg $0x0  }
0xa8: {  	s5 =	sshll.u32 s28, $0x1;
	[dreg:$0x2] =	wrdreg s3  }
0xa9: {  	[dreg:$0x3] =	wrdreg s5  }
0xaa: {  	[dreg:$0x4] =	wrdreg $0xC0  }
0xab: {  	_ =	task [dreg:s7], $0x5FFFF  }
0xac: {  	[dreg:$0x1] =	wrdreg $0xFFFFFFFF  }
0xad: {  	[dreg:$0x0] =	wrdreg $0x60  }
0xae: {  	[dreg:$0x2] =	wrdreg s24  }
0xaf: {  	[dreg:$0x3] =	wrdreg s2  }
0xb0: {  	[dreg:$0x4] =	wrdreg $0x68000  }
0xb1: {  	[dreg:$0x5] =	wrdreg $0x9  }
0xb2: {  	_ =	task.clear_ibuf [dreg:s7], $0x6FFFF;
	_ =	strace $0x90000046  }
0xb3: {  	s29 =	simm.s32 $0x9;
	_ =	strace $0x80000048  }
0xb4: {  	_ =	swait.ge [sflag:s29], $0x1  }
0xb5: {  	[sflag:s29] =	ssyncadd.s32 $0xFFFFFFFF  }
0xb6: {  	_ =	strace $0x90000048  }
0xb7: {  	_ =	sfence  }
0xb8: {  	s30 =	sld [smem:$0x0];
	_ =	sdelay $0x2  }
0xb9: {  	s31 =	sshll.u32 s1, $0xD;
	s1 =	sshrl.u32 s1, $0x2  }
0xba: {  	s3 =	sand.u32 $0x4000, s31;
	s1 =	sadd.s32 s1, s30  }
0xbb: {  	s0 =	sor.u32 s3, s0;
	s1 =	sshll.u32 s1, $0x11  }
0xbc: {  	s0 =	sor.u32 s1, s0  }
0xbd: {  	s0 =	sadd.s32 $0x8F2B, s0  }
0xbe: {  	[sflag:s0] =	ssyncadd.remote.s32 $0x1  }
0xbf: {  	_ =	sfence.sel $0xFFFF  }
0xc0: {  	[dreg:$0x0] =	wrdreg $0xFFFFFFFF;
	(pc) =	sbr.abs _section_cstart, $3  }
0xc1: {  	[dreg:$0x1] =	wrdreg $0xFFFFFFFF  }
0xc2: {  	_ =	task.clear_ibuf [dreg:s7], $0x2FFFF;
	_ =	strace $0x9FFFFFFF  }
0xc3: {  	(tm) =	ssettm $0x7FFFFFFF  }
tec
execute0_lowered:
.L_overlay_start_1:
0x0: {  	(tag) =	ssettag $0x1  }
0x1: {  	s7 =	rddreg [dreg:$0x0]  }
0x2: {  	s0 =	srdreg.scid;
	s2 =	rddreg [dreg:$0x1]  }
0x3: {  	s3 =	rddreg [dreg:$0x2];
	s4 =	simm.s32 $0x0;
	s6 =	sand.u32 $0x1, s0  }
0x4: {  	s13 =	simm.s32 $0x80;
	s0 =	stileid.u32;
	s8 =	smul.u32 $0x140000, s6  }
0x5: {  	s14 =	simm.s32 $0x0;
	[smem:$0x7FF] =	sst s4;
	s9 =	smul.u32 $0x14000, s0  }
0x6: {  	s1 =	sshll.u32 s6, $0x4;
	s30 =	smul.u32 $0x50000, s0;
	s6 =	ssub.s32 $0x2, s6  }
0x7: {  	s11 =	sshll.u32 s0, $0x6;
	s1 =	sor.u32 s0, s1;
	s31 =	sshrl.u32 s6, $0x1  }
0x8: {  	s11 =	sor.u32 $0x1C01, s11;
	s5 =	smul.u32 $0x500, s1;
	s1 =	rddreg [dreg:$0x3]  }
0x9: {  	_ =	strace $0x80000047;
	s8 =	sadd.s32 s9, s8;
	s9 =	sshrl.u32 s30, $0x2  }
0xa: {  	s8 =	sshrl.u32 s8, $0x3;
	s12 =	sadd.s32 s9, s3;
	s9 =	simm.s32 $0x1  }
0xb: {  	s10 =	sadd.s32 s5, s7;
	s5 =	sadd.s32 $0xDC00, s7;
	s7 =	sadd.s32 s8, s7  }
0xc: {  	s8 =	ssub.s32 s6, s31;
	s12 =	sshrl.u32 s12, $0x3;
	s6 =	sadd.s32 $0x3C00, s10  }
0xd: {  	s7 =	sadd.s32 $0x10400, s7;
	s8 =	smax.u32 s8, $0x1;
	s10 =	simm.s32 $0x2800  }
.LBB2_1:
0xe: {  	[tilespmem:s4], [sflag:$0x1] =	stream.linear.gather [hbm4b:s6+s4], $0x2780, $0x38;
	[tilespmem:$0x1A800] =	vst v63  }
0xf: {  	_ =	swait.ge [sflag:s9], $0x2780  }
0x10: {  	[sflag:s9] =	ssyncset.done $0x0  }
0x11: {  	[sflag:s9] =	ssyncadd.s32 $0xFFFFD880  }
0x12: {  	[tilespmem:s10], [sflag:$0x1] =	stream.linear.gather [hbm4b:s2+s4], $0x4000, $0x38;
	[tilespmem:$0x1A800] =	vst v63  }
0x13: {  	_ =	swait.ge [sflag:s9], $0x4000  }
0x14: {  	[sflag:s9] =	ssyncset.done $0x0  }
0x15: {  	[sflag:s9] =	ssyncadd.s32 $0xFFFFC000  }
0x16: {  	[spmem:s12], [sflag:s11] =	dma.local [hbm:s5], $0x2800  }
0x17: {  	_ =	swait.ge [sflag:s9], $0x2800  }
0x18: {  	[sflag:s9] =	ssyncset.done $0x0  }
0x19: {  	[sflag:s9] =	ssyncadd.s32 $0xFFFFD800  }
0x1a: {  	s15 =	simm.s32 $0x0;
	[bflag:$0x0] =	sbarrier.arrive $0xFFFF  }
0x1b: {  	[spmem:s3] =	stream.indirect.scatter.add.f32 [tilespmem:s10], [sflag:$0x1], $0x80, s15, s13, $0xb8;
	[tilespmem:$0x1A800] =	vst v63  }
0x1c: {  	_ =	swait.ge [sflag:s9], $0x4000  }
0x1d: {  	s15 =	simm.s32 $0x200;
	[sflag:s9] =	ssyncset.done $0x0  }
.LBB2_2:
0x1e: {  	s16 =	sshra.s32 s15, $0x2;
	[sflag:s9] =	ssyncadd.s32 $0xFFFFC000;
	p0 =	sne.s32 s15, $0x9C00  }
0x1f: {  	[spmem:s3] =	stream.indirect.scatter.add.f32 [tilespmem:s10], [sflag:$0x1], $0x80, s16, s13, $0xb8;
	[tilespmem:$0x1A800] =	vst v63  }
.Ltmp0:
0x20: {  	_ = 	snop;
	(pc) =	sbr.rel @p0 .LBB2_2-.Ltmp0, $4  }
0x21: {  	_ = 	snop  }
0x22: {  	s15 =	sadd.s32 $0x200, s15  }
0x23: {  	_ =	swait.ge [sflag:s9], $0x4000  }
0x24: {  	[sflag:s9] =	ssyncset.done $0x0  }
0x25: {  	s14 =	sadd.s32 $0x1, s14  }
0x26: {  	[sflag:s9] =	ssyncadd.s32 $0xFFFFC000;
	p0 =	sne.s32 s14, s8  }
.Ltmp1:
0x27: {  	[bflag:$0x0] =	sbarrier.arrive $0xFFFF;
	(pc) =	sbr.rel @p0 .LBB2_1-.Ltmp1, $4  }
0x28: {  	[hbm:s7], [sflag:s11] =	dma.local [spmem:s12], $0x2800  }
0x29: {  	_ =	swait.ge [sflag:s9], $0x2800  }
0x2a: {  	[sflag:s9] =	ssyncset.done $0x0  }
0x2b: {  	[sflag:s9] =	ssyncadd.s32 $0xFFFFD800  }
0x2c: {  	_ =	sfence.sel $0x180000  }
0x2d: {  	[bflag:$0x0] =	sbarrier.arrive $0xFFFF  }
0x2e: {  	p0 =	sne.s32 s0, $0x0;
	_ =	strace $0x90000047  }
0x2f: {  	s0 =	sadd.s32 @!p0 $0x100000, s1;
	[bflag:$0x2] =	sbarrier.arrive $0xFFFF  }
0x30: {  	[sflag:s0] =	ssyncadd.tile.s32 @!p0 $0x1;
	_ =	shalt  }
.Lfunc_end2:
_tile_overlayer_lowered:
.L_overlay_start_2:
0x31: {  	(tag) =	ssettag $0x2  }
0x32: {  	s0 =	rddreg [dreg:$0x0];
	s2 =	stileid.u32  }
0x33: {  	s1 =	rddreg [dreg:$0x1];
	p0 =	sne.s32 s2, $0x0  }
0x34: {  	s3 =	rddreg [dreg:$0x2];
	[bflag:$0x3] =	sbarrier.arrive $0xFFFF;
	s2 =	simm.s32 @!p0 $0x1C01  }
0x35: {  	[timem:s3], [sflag:s2] =	dma.local @!p0 [hbm:s0], s1  }
0x36: {  	s0 =	simm.s32 @!p0 $0x1  }
0x37: {  	_ =	swait.ge @!p0 [sflag:s0], s1  }
0x38: {  	s1 =	ssub.s32 @!p0 $0x0, s1;
	[sflag:s0] =	ssyncset.done @!p0 $0x0  }
0x39: {  	[sflag:s0] =	ssyncadd.s32 @!p0 s1  }
0x3a: {  	[bflag:$0x3] =	sbarrier.arrive $0xFFFF  }
0x3b: {  	_ =	shalt  }

</sc_bundles>
